<compile_context>
chip_gen: v7x
topology: tpu7x:2x2x1
jax: 0.10.2.dev20260603
libtpu: 0.0.44.dev20260713+nightly
codegen_flags: <defaults>
</compile_context>

<pallas_src>
import functools

import jax
import jax.numpy as jnp
from jax import lax
from jax.experimental import pallas as pl
from jax.experimental.pallas import tpu as pltpu
from jax.experimental.pallas import tpu_sc as plsc

N = 10000
E = 160000
D_HID = 16

NC = 2
NS = 16
NW = NC * NS
EPW = E // NW
CW = 125
NCHUNK = EPW // CW
BUF = 40
ROUNDS = NCHUNK // BUF
NPAD = 10240
RPT = NPAD // NS

_sc_mesh = plsc.VectorSubcoreMesh(core_axis_name="c", subcore_axis_name="s")


def _deg_body(dstr, zeros, ones, out, dst_v, ones_v, acc, sem):
    c = lax.axis_index("c")
    s = lax.axis_index("s")
    wid = c * NS + s
    pltpu.sync_copy(zeros.at[pl.ds(s * RPT, RPT)], acc.at[pl.ds(s * RPT, RPT)])
    pltpu.sync_copy(dstr.at[wid], dst_v)
    pltpu.sync_copy(ones, ones_v)
    plsc.subcore_barrier()

    def fire(j, carry):
        pltpu.async_copy(ones_v, acc.at[dst_v.at[j]], sem, add=True)
        return carry

    lax.fori_loop(0, NCHUNK, fire, 0)

    def drain(j, carry):
        pltpu.make_async_copy(ones_v, acc.at[dst_v.at[j]], sem).wait()
        return carry

    lax.fori_loop(0, NCHUNK, drain, 0)
    plsc.subcore_barrier()
    pltpu.sync_copy(acc.at[pl.ds(s * RPT, RPT)], out.at[c, pl.ds(s * RPT, RPT)])


_deg_call = functools.partial(
    pl.kernel,
    _deg_body,
    out_type=jax.ShapeDtypeStruct((NC, NPAD, D_HID), jnp.float32),
    mesh=_sc_mesh,
    compiler_params=pltpu.CompilerParams(use_tc_tiling_on_sc=False),
    scratch_types=[
        pltpu.VMEM((NCHUNK, CW), jnp.int32),
        pltpu.VMEM((CW, D_HID), jnp.float32),
        pltpu.VMEM_SHARED((NPAD, D_HID), jnp.float32),
        pltpu.SemaphoreType.DMA,
    ],
)()


def _scat_body(srcr, dstr, y, zeros, out, src_v, dst_v, rows_v, acc, sem, sem2):
    c = lax.axis_index("c")
    s = lax.axis_index("s")
    wid = c * NS + s
    pltpu.sync_copy(zeros.at[pl.ds(s * RPT, RPT)], acc.at[pl.ds(s * RPT, RPT)])
    pltpu.sync_copy(srcr.at[wid], src_v)
    pltpu.sync_copy(dstr.at[wid], dst_v)
    plsc.subcore_barrier()

    for r in range(ROUNDS):
        base = r * BUF

        def fire_g(j, carry):
            pltpu.async_copy(y.at[src_v.at[base + j]], rows_v.at[j], sem)
            return carry

        lax.fori_loop(0, BUF, fire_g, 0)

        def drain_fire(j, carry):
            pltpu.make_async_copy(y.at[src_v.at[base + j]], rows_v.at[j], sem).wait()
            pltpu.async_copy(rows_v.at[j], acc.at[dst_v.at[base + j]], sem2, add=True)
            return carry

        lax.fori_loop(0, BUF, drain_fire, 0)

        def drain_s(j, carry):
            pltpu.make_async_copy(rows_v.at[j], acc.at[dst_v.at[base + j]], sem2).wait()
            return carry

        lax.fori_loop(0, BUF, drain_s, 0)
    plsc.subcore_barrier()
    pltpu.sync_copy(acc.at[pl.ds(s * RPT, RPT)], out.at[c, pl.ds(s * RPT, RPT)])


_scat_call = functools.partial(
    pl.kernel,
    _scat_body,
    out_type=jax.ShapeDtypeStruct((NC, NPAD, D_HID), jnp.float32),
    mesh=_sc_mesh,
    compiler_params=pltpu.CompilerParams(use_tc_tiling_on_sc=False),
    scratch_types=[
        pltpu.VMEM((NCHUNK, CW), jnp.int32),
        pltpu.VMEM((NCHUNK, CW), jnp.int32),
        pltpu.VMEM((BUF, CW, D_HID), jnp.float32),
        pltpu.VMEM_SHARED((NPAD, D_HID), jnp.float32),
        pltpu.SemaphoreType.DMA,
        pltpu.SemaphoreType.DMA,
    ],
)()


NPK = NPAD // 8
NB = N // 8


def _tc0_body(x_ref, w1_ref, u1_ref):
    for k in range(8):
        u1_ref[:, 16 * k:16 * (k + 1)] = jnp.dot(
            x_ref[NB * k:NB * (k + 1), :], w1_ref[...],
            preferred_element_type=jnp.float32)


def _tc1_body(degp_ref, u1_ref, y1_ref, dinv_ref):
    deg = degp_ref[0] + degp_ref[1] + 1.0
    dinv = lax.rsqrt(deg)
    dinv_ref[...] = dinv
    y1_ref[...] = u1_ref[...] * dinv[:NB]


def _tc2_body(s1p_ref, y1_ref, dinv_ref, b1_ref, y2_ref):
    dinv = dinv_ref[:NB]
    agg = (s1p_ref[0, :NB] + s1p_ref[1, :NB] + y1_ref[...]) * dinv + b1_ref[...]
    h = jnp.maximum(agg, 0.0)
    y2_ref[...] = h * dinv


def _tc3_body(s2p_ref, y2_ref, dinv_ref, w2_ref, b2_ref, out_ref):
    tp = (s2p_ref[0, :NB] + s2p_ref[1, :NB] + y2_ref[...]) * dinv_ref[:NB]
    for k in range(8):
        z = jnp.dot(tp[:, 16 * k:16 * (k + 1)], w2_ref[...],
                    preferred_element_type=jnp.float32) + b2_ref[...]
        out_ref[NB * k:NB * (k + 1), :] = jax.nn.sigmoid(z)


def kernel(x, edge_index, W1, b1, W2, b2):
    ep = (edge_index % NB) * 8 + edge_index // NB
    src_r = ep[0].reshape(NW, NCHUNK, CW)
    dst_r = ep[1].reshape(NW, NCHUNK, CW)
    zeros16 = jnp.zeros((NPAD, D_HID), jnp.float32)
    ones_row = jnp.ones((CW, D_HID), jnp.float32)
    b1p = jnp.tile(b1, 8).reshape(1, 128)

    degp = _deg_call(dst_r, zeros16, ones_row)

    u1p = pl.pallas_call(
        _tc0_body,
        out_shape=jax.ShapeDtypeStruct((NB, 128), jnp.float32),
    )(x, W1)

    y1p, dinvp = pl.pallas_call(
        _tc1_body,
        out_shape=[
            jax.ShapeDtypeStruct((NB, 128), jnp.float32),
            jax.ShapeDtypeStruct((NPK, 128), jnp.float32),
        ],
    )(degp.reshape(NC, NPK, 128), u1p)

    s1p = _scat_call(src_r, dst_r, y1p.reshape(N, D_HID), zeros16)

    y2p = pl.pallas_call(
        _tc2_body,
        out_shape=jax.ShapeDtypeStruct((NB, 128), jnp.float32),
    )(s1p.reshape(NC, NPK, 128), y1p, dinvp, b1p)

    s2p = _scat_call(src_r, dst_r, y2p.reshape(N, D_HID), zeros16)

    out = pl.pallas_call(
        _tc3_body,
        out_shape=jax.ShapeDtypeStruct((N, W2.shape[1]), jnp.float32),
    )(s2p.reshape(NC, NPK, 128), y2p, dinvp, W2, b2.reshape(1, W2.shape[1]))
    return out

# --- scband reference (transcript-rebuilt; emitter-appended) ---
"""Pipeline reference for scband-gcn-12077448036405 (READ-ONLY COPY).

The authoritative reference and input builder live on the scoring server;
editing this copy changes nothing except your own understanding.
"""

import jax, jax.numpy as jnp
import numpy as np

N = 10000
E = 160000
D_IN = 256
D_HID = 16
N_CLASSES = 40

def setup_inputs(seed: int = 0):
    key = jax.random.key(seed)
    k1, k2, k3, k4 = jax.random.split(key, 4)
    x = jax.random.normal(k1, (N, D_IN), dtype=jnp.float32)
    edge_index = jax.random.randint(k2, (2, E), 0, N, dtype=jnp.int32)
    W1 = jax.random.normal(k3, (D_IN, D_HID), dtype=jnp.float32) * (1.0 / np.sqrt(D_IN))
    b1 = jnp.zeros((D_HID,), dtype=jnp.float32)
    W2 = jax.random.normal(k4, (D_HID, N_CLASSES), dtype=jnp.float32) * (1.0 / np.sqrt(D_HID))
    b2 = jnp.zeros((N_CLASSES,), dtype=jnp.float32)
    return {"x": x, "edge_index": edge_index, "W1": W1, "b1": b1, "W2": W2, "b2": b2}

def _gcn_conv(x, edge_index, W, b):
    # PyG GCNConv: add self-loops, symmetric normalization D^-1/2 (A+I) D^-1/2 X W + b
    n = x.shape[0]
    loop = jnp.arange(n, dtype=edge_index.dtype)
    src = jnp.concatenate([edge_index[0], loop])
    dst = jnp.concatenate([edge_index[1], loop])
    deg = jnp.zeros((n,), dtype=x.dtype).at[dst].add(1.0)
    dinv = jnp.where(deg > 0, deg ** -0.5, 0.0)
    norm = dinv[src] * dinv[dst]
    xw = x @ W
    msg = xw[src] * norm[:, None]
    out = jnp.zeros((n, W.shape[1]), dtype=x.dtype).at[dst].add(msg)
    return out + b

def reference(x, edge_index, W1, b1, W2, b2):
    h = _gcn_conv(x, edge_index, W1, b1)
    h = jax.nn.relu(h)
    # F.dropout is identity in eval mode; omitted for deterministic reference
    out = _gcn_conv(h, edge_index, W2, b2)
    return jax.nn.sigmoid(out)

if __name__ == "__main__":
    import jax
    _d = setup_inputs()
    print(jax.jit(kernel)(*tuple(_d.values())))

</pallas_src>

<mosaic_0001>
#map = affine_map<(d0, d1) -> (0, 0, 0)>
#map1 = affine_map<(d0, d1) -> (0, 0)>
module attributes {stable_mosaic.version = 14 : i64} {
  func.func @_deg_body(%arg0: i32, %arg1: i32, %arg2: memref<32x40x125xi32, #tpu.memory_space<hbm>>, %arg3: memref<10240x16xf32, #tpu.memory_space<hbm>>, %arg4: memref<125x16xf32, #tpu.memory_space<hbm>>, %arg5: memref<2x10240x16xf32, #tpu.memory_space<hbm>>, %arg6: memref<40x125xi32, #tpu.memory_space<vmem>>, %arg7: memref<125x16xf32, #tpu.memory_space<vmem>>, %arg8: memref<10240x16xf32, #tpu.memory_space<vmem_shared>>, %arg9: memref<!tpu.dma_semaphore, #tpu.memory_space<semaphore_mem>>) attributes {dimension_semantics = [#tpu.dimension_semantics<core_parallel>, #tpu.dimension_semantics<subcore_parallel>], iteration_bounds = array<i64: 2, 16>, scalar_prefetch = 0 : i64, scratch_operands = 4 : i64, tpu.core_type = #tpu.core_type<sc_vector_subcore>, window_params = [{transform_indices = #map}, {transform_indices = #map1}, {transform_indices = #map1}, {transform_indices = #map}]} {
    %mul3A = arith.constant 16 : i32
    %mul3A_0 = arith.muli %arg0, %mul3A : i32
    %add3A = arith.addi %mul3A_0, %arg1 : i32
    %mul3A_1 = arith.constant 640 : i32
    %mul3A_2 = arith.muli %arg1, %mul3A_1 : i32
    %mul3A_3 = arith.constant 640 : i32
    %mul3A_4 = arith.muli %arg1, %mul3A_3 : i32
    "tpu.region"() ({
      %run_scoped3A = tpu.sem_alloc : memref<!tpu.dma_semaphore, #tpu.memory_space<semaphore_mem>>
      %dma_start3A = arith.constant 0 : i32
      %dma_start3A_21 = tpu.memref_slice %arg8[%mul3A_4, %dma_start3A] : memref<10240x16xf32, #tpu.memory_space<vmem_shared>> -> memref<640x16xf32, #tpu.memory_space<vmem_shared>>
      %dma_start3A_22 = arith.constant 0 : i32
      %dma_start3A_23 = tpu.memref_slice %arg3[%mul3A_2, %dma_start3A_22] : memref<10240x16xf32, #tpu.memory_space<hbm>> -> memref<640x16xf32, #tpu.memory_space<hbm>>
      tpu.enqueue_dma source(%dma_start3A_23 : memref<640x16xf32, #tpu.memory_space<hbm>>) target(%dma_start3A_21 : memref<640x16xf32, #tpu.memory_space<vmem_shared>>) target_semaphore(%run_scoped3A : memref<!tpu.dma_semaphore, #tpu.memory_space<semaphore_mem>>)
      %dma_wait3A = arith.constant 0 : i32
      %dma_wait3A_24 = tpu.memref_slice %arg8[%mul3A_4, %dma_wait3A] : memref<10240x16xf32, #tpu.memory_space<vmem_shared>> -> memref<640x16xf32, #tpu.memory_space<vmem_shared>>
      %dma_wait3A_25 = arith.constant 0 : i32
      %dma_wait3A_26 = tpu.memref_slice %arg3[%mul3A_2, %dma_wait3A_25] : memref<10240x16xf32, #tpu.memory_space<hbm>> -> memref<640x16xf32, #tpu.memory_space<hbm>>
      tpu.wait_dma2 semaphore(%run_scoped3A : memref<!tpu.dma_semaphore, #tpu.memory_space<semaphore_mem>>) src(%dma_wait3A_26 : memref<640x16xf32, #tpu.memory_space<hbm>>) dst(%dma_wait3A_24 : memref<640x16xf32, #tpu.memory_space<vmem_shared>>)
      tpu.yield
    }) : () -> ()
    "tpu.region"() ({
      %run_scoped3A = tpu.sem_alloc : memref<!tpu.dma_semaphore, #tpu.memory_space<semaphore_mem>>
      %dma_start3A = arith.constant 0 : i32
      %dma_start3A_21 = arith.constant 0 : i32
      %dma_start3A_22 = tpu.memref_slice %arg2[%add3A, %dma_start3A, %dma_start3A_21] : memref<32x40x125xi32, #tpu.memory_space<hbm>> -> memref<1x40x125xi32, #tpu.memory_space<hbm>>
      %dma_start3A_23 = tpu.memref_squeeze %dma_start3A_22 : memref<1x40x125xi32, #tpu.memory_space<hbm>> -> memref<40x125xi32, #tpu.memory_space<hbm>>
      %dma_start3A_24 = arith.constant 0 : i32
      %dma_start3A_25 = arith.constant 0 : i32
      %dma_start3A_26 = tpu.memref_slice %arg2[%add3A, %dma_start3A_24, %dma_start3A_25] : memref<32x40x125xi32, #tpu.memory_space<hbm>> -> memref<1x40x125xi32, #tpu.memory_space<hbm>>
      %dma_start3A_27 = tpu.memref_squeeze %dma_start3A_26 : memref<1x40x125xi32, #tpu.memory_space<hbm>> -> memref<40x125xi32, #tpu.memory_space<hbm>>
      tpu.enqueue_dma source(%dma_start3A_27 : memref<40x125xi32, #tpu.memory_space<hbm>>) target(%arg6 : memref<40x125xi32, #tpu.memory_space<vmem>>) target_semaphore(%run_scoped3A : memref<!tpu.dma_semaphore, #tpu.memory_space<semaphore_mem>>)
      %dma_wait3A = arith.constant 0 : i32
      %dma_wait3A_28 = arith.constant 0 : i32
      %dma_wait3A_29 = tpu.memref_slice %arg2[%add3A, %dma_wait3A, %dma_wait3A_28] : memref<32x40x125xi32, #tpu.memory_space<hbm>> -> memref<1x40x125xi32, #tpu.memory_space<hbm>>
      %dma_wait3A_30 = tpu.memref_squeeze %dma_wait3A_29 : memref<1x40x125xi32, #tpu.memory_space<hbm>> -> memref<40x125xi32, #tpu.memory_space<hbm>>
      %dma_wait3A_31 = arith.constant 0 : i32
      %dma_wait3A_32 = arith.constant 0 : i32
      %dma_wait3A_33 = tpu.memref_slice %arg2[%add3A, %dma_wait3A_31, %dma_wait3A_32] : memref<32x40x125xi32, #tpu.memory_space<hbm>> -> memref<1x40x125xi32, #tpu.memory_space<hbm>>
      %dma_wait3A_34 = tpu.memref_squeeze %dma_wait3A_33 : memref<1x40x125xi32, #tpu.memory_space<hbm>> -> memref<40x125xi32, #tpu.memory_space<hbm>>
      tpu.wait_dma2 semaphore(%run_scoped3A : memref<!tpu.dma_semaphore, #tpu.memory_space<semaphore_mem>>) src(%dma_wait3A_34 : memref<40x125xi32, #tpu.memory_space<hbm>>) dst(%arg6 : memref<40x125xi32, #tpu.memory_space<vmem>>)
      tpu.yield
    }) : () -> ()
    "tpu.region"() ({
      %run_scoped3A = tpu.sem_alloc : memref<!tpu.dma_semaphore, #tpu.memory_space<semaphore_mem>>
      tpu.enqueue_dma source(%arg4 : memref<125x16xf32, #tpu.memory_space<hbm>>) target(%arg7 : memref<125x16xf32, #tpu.memory_space<vmem>>) target_semaphore(%run_scoped3A : memref<!tpu.dma_semaphore, #tpu.memory_space<semaphore_mem>>)
      tpu.wait_dma2 semaphore(%run_scoped3A : memref<!tpu.dma_semaphore, #tpu.memory_space<semaphore_mem>>) src(%arg4 : memref<125x16xf32, #tpu.memory_space<hbm>>) dst(%arg7 : memref<125x16xf32, #tpu.memory_space<vmem>>)
      tpu.yield
    }) : () -> ()
    %barrier3A = arith.constant 0 : index
    tpu.barrier barrier_id(%barrier3A)
    %scan3A = arith.constant 0 : i32
    %scan3A_5 = arith.constant 0 : i32
    %scan3A_6 = arith.constant 40 : i32
    %scan3A_7 = arith.addi %scan3A_5, %scan3A_6 : i32
    %scan3A_8 = arith.constant 1 : i32
    scf.for %scan3A_21 = %scan3A_5 to %scan3A_7 step %scan3A_8  : i32 {
      %dma_start3A = arith.constant 0 : i32
      %dma_start3A_22 = tpu.memref_slice %arg6[%scan3A_21, %dma_start3A] : memref<40x125xi32, #tpu.memory_space<vmem>> -> memref<1x125xi32, #tpu.memory_space<vmem>>
      %dma_start3A_23 = tpu.memref_squeeze %dma_start3A_22 : memref<1x125xi32, #tpu.memory_space<vmem>> -> memref<125xi32, #tpu.memory_space<vmem>>
      %dma_start3A_24 = arith.constant 0 : i32
      %dma_start3A_25 = arith.constant 0 : i32
      %dma_start3A_26 = tpu.memref_slice %arg8[%dma_start3A_24, %dma_start3A_25] : memref<10240x16xf32, #tpu.memory_space<vmem_shared>> -> memref<10240x16xf32, #tpu.memory_space<vmem_shared>>
      tpu.enqueue_indirect_dma source(%arg7 : memref<125x16xf32, #tpu.memory_space<vmem>>) target(%dma_start3A_26 : memref<10240x16xf32, #tpu.memory_space<vmem_shared>>) offsets(%dma_start3A_23 : memref<125xi32, #tpu.memory_space<vmem>>) semaphore(%arg9 : memref<!tpu.dma_semaphore, #tpu.memory_space<semaphore_mem>>) {add = true}
    }
    %scan3A_9 = arith.constant 40 : i32
    %scan3A_10 = arith.constant 0 : i32
    %scan3A_11 = arith.constant 0 : i32
    %scan3A_12 = arith.constant 40 : i32
    %scan3A_13 = arith.addi %scan3A_11, %scan3A_12 : i32
    %scan3A_14 = arith.constant 1 : i32
    scf.for %scan3A_21 = %scan3A_11 to %scan3A_13 step %scan3A_14  : i32 {
      %dma_wait3A = arith.constant 0 : i32
      %dma_wait3A_22 = tpu.memref_slice %arg6[%scan3A_21, %dma_wait3A] : memref<40x125xi32, #tpu.memory_space<vmem>> -> memref<1x125xi32, #tpu.memory_space<vmem>>
      %dma_wait3A_23 = tpu.memref_squeeze %dma_wait3A_22 : memref<1x125xi32, #tpu.memory_space<vmem>> -> memref<125xi32, #tpu.memory_space<vmem>>
      %dma_wait3A_24 = arith.constant 0 : i32
      %dma_wait3A_25 = arith.constant 0 : i32
      %dma_wait3A_26 = tpu.memref_slice %arg8[%dma_wait3A_24, %dma_wait3A_25] : memref<10240x16xf32, #tpu.memory_space<vmem_shared>> -> memref<10240x16xf32, #tpu.memory_space<vmem_shared>>
      tpu.wait_indirect_dma semaphore(%arg9 : memref<!tpu.dma_semaphore, #tpu.memory_space<semaphore_mem>>) src(%arg7 : memref<125x16xf32, #tpu.memory_space<vmem>>) dst(%dma_wait3A_26 : memref<10240x16xf32, #tpu.memory_space<vmem_shared>>)
    }
    %scan3A_15 = arith.constant 40 : i32
    %barrier3A_16 = arith.constant 0 : index
    tpu.barrier barrier_id(%barrier3A_16)
    %mul3A_17 = arith.constant 640 : i32
    %mul3A_18 = arith.muli %arg1, %mul3A_17 : i32
    %mul3A_19 = arith.constant 640 : i32
    %mul3A_20 = arith.muli %arg1, %mul3A_19 : i32
    "tpu.region"() ({
      %run_scoped3A = tpu.sem_alloc : memref<!tpu.dma_semaphore, #tpu.memory_space<semaphore_mem>>
      %dma_start3A = arith.constant 0 : i32
      %dma_start3A_21 = tpu.memref_slice %arg5[%arg0, %mul3A_20, %dma_start3A] : memref<2x10240x16xf32, #tpu.memory_space<hbm>> -> memref<1x640x16xf32, #tpu.memory_space<hbm>>
      %dma_start3A_22 = tpu.memref_squeeze %dma_start3A_21 : memref<1x640x16xf32, #tpu.memory_space<hbm>> -> memref<640x16xf32, #tpu.memory_space<hbm>>
      %dma_start3A_23 = arith.constant 0 : i32
      %dma_start3A_24 = tpu.memref_slice %arg8[%mul3A_18, %dma_start3A_23] : memref<10240x16xf32, #tpu.memory_space<vmem_shared>> -> memref<640x16xf32, #tpu.memory_space<vmem_shared>>
      tpu.enqueue_dma source(%dma_start3A_24 : memref<640x16xf32, #tpu.memory_space<vmem_shared>>) target(%dma_start3A_22 : memref<640x16xf32, #tpu.memory_space<hbm>>) target_semaphore(%run_scoped3A : memref<!tpu.dma_semaphore, #tpu.memory_space<semaphore_mem>>)
      %dma_wait3A = arith.constant 0 : i32
      %dma_wait3A_25 = tpu.memref_slice %arg5[%arg0, %mul3A_20, %dma_wait3A] : memref<2x10240x16xf32, #tpu.memory_space<hbm>> -> memref<1x640x16xf32, #tpu.memory_space<hbm>>
      %dma_wait3A_26 = tpu.memref_squeeze %dma_wait3A_25 : memref<1x640x16xf32, #tpu.memory_space<hbm>> -> memref<640x16xf32, #tpu.memory_space<hbm>>
      %dma_wait3A_27 = arith.constant 0 : i32
      %dma_wait3A_28 = tpu.memref_slice %arg8[%mul3A_18, %dma_wait3A_27] : memref<10240x16xf32, #tpu.memory_space<vmem_shared>> -> memref<640x16xf32, #tpu.memory_space<vmem_shared>>
      tpu.wait_dma2 semaphore(%run_scoped3A : memref<!tpu.dma_semaphore, #tpu.memory_space<semaphore_mem>>) src(%dma_wait3A_28 : memref<640x16xf32, #tpu.memory_space<vmem_shared>>) dst(%dma_wait3A_26 : memref<640x16xf32, #tpu.memory_space<hbm>>)
      tpu.yield
    }) : () -> ()
    return
  }
}

#map = affine_map<(d0, d1) -> (0, 0, 0)>
#map1 = affine_map<(d0, d1) -> (0, 0)>
module attributes {stable_mosaic.version = 14 : i64} {
  func.func @_scat_body(%arg0: i32, %arg1: i32, %arg2: memref<32x40x125xi32, #tpu.memory_space<hbm>>, %arg3: memref<32x40x125xi32, #tpu.memory_space<hbm>>, %arg4: memref<10000x16xf32, #tpu.memory_space<hbm>>, %arg5: memref<10240x16xf32, #tpu.memory_space<hbm>>, %arg6: memref<2x10240x16xf32, #tpu.memory_space<hbm>>, %arg7: memref<40x125xi32, #tpu.memory_space<vmem>>, %arg8: memref<40x125xi32, #tpu.memory_space<vmem>>, %arg9: memref<40x125x16xf32, #tpu.memory_space<vmem>>, %arg10: memref<10240x16xf32, #tpu.memory_space<vmem_shared>>, %arg11: memref<!tpu.dma_semaphore, #tpu.memory_space<semaphore_mem>>, %arg12: memref<!tpu.dma_semaphore, #tpu.memory_space<semaphore_mem>>) attributes {dimension_semantics = [#tpu.dimension_semantics<core_parallel>, #tpu.dimension_semantics<subcore_parallel>], iteration_bounds = array<i64: 2, 16>, scalar_prefetch = 0 : i64, scratch_operands = 6 : i64, tpu.core_type = #tpu.core_type<sc_vector_subcore>, window_params = [{transform_indices = #map}, {transform_indices = #map}, {transform_indices = #map1}, {transform_indices = #map1}, {transform_indices = #map}]} {
    %mul3A = arith.constant 16 : i32
    %mul3A_0 = arith.muli %arg0, %mul3A : i32
    %add3A = arith.addi %mul3A_0, %arg1 : i32
    %mul3A_1 = arith.constant 640 : i32
    %mul3A_2 = arith.muli %arg1, %mul3A_1 : i32
    %mul3A_3 = arith.constant 640 : i32
    %mul3A_4 = arith.muli %arg1, %mul3A_3 : i32
    "tpu.region"() ({
      %run_scoped3A = tpu.sem_alloc : memref<!tpu.dma_semaphore, #tpu.memory_space<semaphore_mem>>
      %dma_start3A = arith.constant 0 : i32
      %dma_start3A_27 = tpu.memref_slice %arg10[%mul3A_4, %dma_start3A] : memref<10240x16xf32, #tpu.memory_space<vmem_shared>> -> memref<640x16xf32, #tpu.memory_space<vmem_shared>>
      %dma_start3A_28 = arith.constant 0 : i32
      %dma_start3A_29 = tpu.memref_slice %arg5[%mul3A_2, %dma_start3A_28] : memref<10240x16xf32, #tpu.memory_space<hbm>> -> memref<640x16xf32, #tpu.memory_space<hbm>>
      tpu.enqueue_dma source(%dma_start3A_29 : memref<640x16xf32, #tpu.memory_space<hbm>>) target(%dma_start3A_27 : memref<640x16xf32, #tpu.memory_space<vmem_shared>>) target_semaphore(%run_scoped3A : memref<!tpu.dma_semaphore, #tpu.memory_space<semaphore_mem>>)
      %dma_wait3A = arith.constant 0 : i32
      %dma_wait3A_30 = tpu.memref_slice %arg10[%mul3A_4, %dma_wait3A] : memref<10240x16xf32, #tpu.memory_space<vmem_shared>> -> memref<640x16xf32, #tpu.memory_space<vmem_shared>>
      %dma_wait3A_31 = arith.constant 0 : i32
      %dma_wait3A_32 = tpu.memref_slice %arg5[%mul3A_2, %dma_wait3A_31] : memref<10240x16xf32, #tpu.memory_space<hbm>> -> memref<640x16xf32, #tpu.memory_space<hbm>>
      tpu.wait_dma2 semaphore(%run_scoped3A : memref<!tpu.dma_semaphore, #tpu.memory_space<semaphore_mem>>) src(%dma_wait3A_32 : memref<640x16xf32, #tpu.memory_space<hbm>>) dst(%dma_wait3A_30 : memref<640x16xf32, #tpu.memory_space<vmem_shared>>)
      tpu.yield
    }) : () -> ()
    "tpu.region"() ({
      %run_scoped3A = tpu.sem_alloc : memref<!tpu.dma_semaphore, #tpu.memory_space<semaphore_mem>>
      %dma_start3A = arith.constant 0 : i32
      %dma_start3A_27 = arith.constant 0 : i32
      %dma_start3A_28 = tpu.memref_slice %arg2[%add3A, %dma_start3A, %dma_start3A_27] : memref<32x40x125xi32, #tpu.memory_space<hbm>> -> memref<1x40x125xi32, #tpu.memory_space<hbm>>
      %dma_start3A_29 = tpu.memref_squeeze %dma_start3A_28 : memref<1x40x125xi32, #tpu.memory_space<hbm>> -> memref<40x125xi32, #tpu.memory_space<hbm>>
      %dma_start3A_30 = arith.constant 0 : i32
      %dma_start3A_31 = arith.constant 0 : i32
      %dma_start3A_32 = tpu.memref_slice %arg2[%add3A, %dma_start3A_30, %dma_start3A_31] : memref<32x40x125xi32, #tpu.memory_space<hbm>> -> memref<1x40x125xi32, #tpu.memory_space<hbm>>
      %dma_start3A_33 = tpu.memref_squeeze %dma_start3A_32 : memref<1x40x125xi32, #tpu.memory_space<hbm>> -> memref<40x125xi32, #tpu.memory_space<hbm>>
      tpu.enqueue_dma source(%dma_start3A_33 : memref<40x125xi32, #tpu.memory_space<hbm>>) target(%arg7 : memref<40x125xi32, #tpu.memory_space<vmem>>) target_semaphore(%run_scoped3A : memref<!tpu.dma_semaphore, #tpu.memory_space<semaphore_mem>>)
      %dma_wait3A = arith.constant 0 : i32
      %dma_wait3A_34 = arith.constant 0 : i32
      %dma_wait3A_35 = tpu.memref_slice %arg2[%add3A, %dma_wait3A, %dma_wait3A_34] : memref<32x40x125xi32, #tpu.memory_space<hbm>> -> memref<1x40x125xi32, #tpu.memory_space<hbm>>
      %dma_wait3A_36 = tpu.memref_squeeze %dma_wait3A_35 : memref<1x40x125xi32, #tpu.memory_space<hbm>> -> memref<40x125xi32, #tpu.memory_space<hbm>>
      %dma_wait3A_37 = arith.constant 0 : i32
      %dma_wait3A_38 = arith.constant 0 : i32
      %dma_wait3A_39 = tpu.memref_slice %arg2[%add3A, %dma_wait3A_37, %dma_wait3A_38] : memref<32x40x125xi32, #tpu.memory_space<hbm>> -> memref<1x40x125xi32, #tpu.memory_space<hbm>>
      %dma_wait3A_40 = tpu.memref_squeeze %dma_wait3A_39 : memref<1x40x125xi32, #tpu.memory_space<hbm>> -> memref<40x125xi32, #tpu.memory_space<hbm>>
      tpu.wait_dma2 semaphore(%run_scoped3A : memref<!tpu.dma_semaphore, #tpu.memory_space<semaphore_mem>>) src(%dma_wait3A_40 : memref<40x125xi32, #tpu.memory_space<hbm>>) dst(%arg7 : memref<40x125xi32, #tpu.memory_space<vmem>>)
      tpu.yield
    }) : () -> ()
    "tpu.region"() ({
      %run_scoped3A = tpu.sem_alloc : memref<!tpu.dma_semaphore, #tpu.memory_space<semaphore_mem>>
      %dma_start3A = arith.constant 0 : i32
      %dma_start3A_27 = arith.constant 0 : i32
      %dma_start3A_28 = tpu.memref_slice %arg3[%add3A, %dma_start3A, %dma_start3A_27] : memref<32x40x125xi32, #tpu.memory_space<hbm>> -> memref<1x40x125xi32, #tpu.memory_space<hbm>>
      %dma_start3A_29 = tpu.memref_squeeze %dma_start3A_28 : memref<1x40x125xi32, #tpu.memory_space<hbm>> -> memref<40x125xi32, #tpu.memory_space<hbm>>
      %dma_start3A_30 = arith.constant 0 : i32
      %dma_start3A_31 = arith.constant 0 : i32
      %dma_start3A_32 = tpu.memref_slice %arg3[%add3A, %dma_start3A_30, %dma_start3A_31] : memref<32x40x125xi32, #tpu.memory_space<hbm>> -> memref<1x40x125xi32, #tpu.memory_space<hbm>>
      %dma_start3A_33 = tpu.memref_squeeze %dma_start3A_32 : memref<1x40x125xi32, #tpu.memory_space<hbm>> -> memref<40x125xi32, #tpu.memory_space<hbm>>
      tpu.enqueue_dma source(%dma_start3A_33 : memref<40x125xi32, #tpu.memory_space<hbm>>) target(%arg8 : memref<40x125xi32, #tpu.memory_space<vmem>>) target_semaphore(%run_scoped3A : memref<!tpu.dma_semaphore, #tpu.memory_space<semaphore_mem>>)
      %dma_wait3A = arith.constant 0 : i32
      %dma_wait3A_34 = arith.constant 0 : i32
      %dma_wait3A_35 = tpu.memref_slice %arg3[%add3A, %dma_wait3A, %dma_wait3A_34] : memref<32x40x125xi32, #tpu.memory_space<hbm>> -> memref<1x40x125xi32, #tpu.memory_space<hbm>>
      %dma_wait3A_36 = tpu.memref_squeeze %dma_wait3A_35 : memref<1x40x125xi32, #tpu.memory_space<hbm>> -> memref<40x125xi32, #tpu.memory_space<hbm>>
      %dma_wait3A_37 = arith.constant 0 : i32
      %dma_wait3A_38 = arith.constant 0 : i32
      %dma_wait3A_39 = tpu.memref_slice %arg3[%add3A, %dma_wait3A_37, %dma_wait3A_38] : memref<32x40x125xi32, #tpu.memory_space<hbm>> -> memref<1x40x125xi32, #tpu.memory_space<hbm>>
      %dma_wait3A_40 = tpu.memref_squeeze %dma_wait3A_39 : memref<1x40x125xi32, #tpu.memory_space<hbm>> -> memref<40x125xi32, #tpu.memory_space<hbm>>
      tpu.wait_dma2 semaphore(%run_scoped3A : memref<!tpu.dma_semaphore, #tpu.memory_space<semaphore_mem>>) src(%dma_wait3A_40 : memref<40x125xi32, #tpu.memory_space<hbm>>) dst(%arg8 : memref<40x125xi32, #tpu.memory_space<vmem>>)
      tpu.yield
    }) : () -> ()
    %barrier3A = arith.constant 0 : index
    tpu.barrier barrier_id(%barrier3A)
    %scan3A = arith.constant 0 : i32
    %scan3A_5 = arith.constant 0 : i32
    %scan3A_6 = arith.constant 40 : i32
    %scan3A_7 = arith.addi %scan3A_5, %scan3A_6 : i32
    %scan3A_8 = arith.constant 1 : i32
    scf.for %scan3A_27 = %scan3A_5 to %scan3A_7 step %scan3A_8  : i32 {
      %add3A_28 = arith.constant 0 : i32
      %add3A_29 = arith.addi %add3A_28, %scan3A_27 : i32
      %dma_start3A = arith.constant 0 : i32
      %dma_start3A_30 = arith.constant 0 : i32
      %dma_start3A_31 = tpu.memref_slice %arg9[%scan3A_27, %dma_start3A, %dma_start3A_30] : memref<40x125x16xf32, #tpu.memory_space<vmem>> -> memref<1x125x16xf32, #tpu.memory_space<vmem>>
      %dma_start3A_32 = tpu.memref_squeeze %dma_start3A_31 : memref<1x125x16xf32, #tpu.memory_space<vmem>> -> memref<125x16xf32, #tpu.memory_space<vmem>>
      %dma_start3A_33 = arith.constant 0 : i32
      %dma_start3A_34 = tpu.memref_slice %arg7[%add3A_29, %dma_start3A_33] : memref<40x125xi32, #tpu.memory_space<vmem>> -> memref<1x125xi32, #tpu.memory_space<vmem>>
      %dma_start3A_35 = tpu.memref_squeeze %dma_start3A_34 : memref<1x125xi32, #tpu.memory_space<vmem>> -> memref<125xi32, #tpu.memory_space<vmem>>
      %dma_start3A_36 = arith.constant 0 : i32
      %dma_start3A_37 = arith.constant 0 : i32
      %dma_start3A_38 = tpu.memref_slice %arg4[%dma_start3A_36, %dma_start3A_37] : memref<10000x16xf32, #tpu.memory_space<hbm>> -> memref<10000x16xf32, #tpu.memory_space<hbm>>
      tpu.enqueue_indirect_dma source(%dma_start3A_38 : memref<10000x16xf32, #tpu.memory_space<hbm>>) target(%dma_start3A_32 : memref<125x16xf32, #tpu.memory_space<vmem>>) offsets(%dma_start3A_35 : memref<125xi32, #tpu.memory_space<vmem>>) semaphore(%arg11 : memref<!tpu.dma_semaphore, #tpu.memory_space<semaphore_mem>>)
    }
    %scan3A_9 = arith.constant 40 : i32
    %scan3A_10 = arith.constant 0 : i32
    %scan3A_11 = arith.constant 0 : i32
    %scan3A_12 = arith.constant 40 : i32
    %scan3A_13 = arith.addi %scan3A_11, %scan3A_12 : i32
    %scan3A_14 = arith.constant 1 : i32
    scf.for %scan3A_27 = %scan3A_11 to %scan3A_13 step %scan3A_14  : i32 {
      %add3A_28 = arith.constant 0 : i32
      %add3A_29 = arith.addi %add3A_28, %scan3A_27 : i32
      %dma_wait3A = arith.constant 0 : i32
      %dma_wait3A_30 = arith.constant 0 : i32
      %dma_wait3A_31 = tpu.memref_slice %arg9[%scan3A_27, %dma_wait3A, %dma_wait3A_30] : memref<40x125x16xf32, #tpu.memory_space<vmem>> -> memref<1x125x16xf32, #tpu.memory_space<vmem>>
      %dma_wait3A_32 = tpu.memref_squeeze %dma_wait3A_31 : memref<1x125x16xf32, #tpu.memory_space<vmem>> -> memref<125x16xf32, #tpu.memory_space<vmem>>
      %dma_wait3A_33 = arith.constant 0 : i32
      %dma_wait3A_34 = tpu.memref_slice %arg7[%add3A_29, %dma_wait3A_33] : memref<40x125xi32, #tpu.memory_space<vmem>> -> memref<1x125xi32, #tpu.memory_space<vmem>>
      %dma_wait3A_35 = tpu.memref_squeeze %dma_wait3A_34 : memref<1x125xi32, #tpu.memory_space<vmem>> -> memref<125xi32, #tpu.memory_space<vmem>>
      %dma_wait3A_36 = arith.constant 0 : i32
      %dma_wait3A_37 = arith.constant 0 : i32
      %dma_wait3A_38 = tpu.memref_slice %arg4[%dma_wait3A_36, %dma_wait3A_37] : memref<10000x16xf32, #tpu.memory_space<hbm>> -> memref<10000x16xf32, #tpu.memory_space<hbm>>
      tpu.wait_indirect_dma semaphore(%arg11 : memref<!tpu.dma_semaphore, #tpu.memory_space<semaphore_mem>>) src(%dma_wait3A_38 : memref<10000x16xf32, #tpu.memory_space<hbm>>) dst(%dma_wait3A_32 : memref<125x16xf32, #tpu.memory_space<vmem>>)
      %add3A_39 = arith.constant 0 : i32
      %add3A_40 = arith.addi %add3A_39, %scan3A_27 : i32
      %dma_start3A = arith.constant 0 : i32
      %dma_start3A_41 = arith.constant 0 : i32
      %dma_start3A_42 = tpu.memref_slice %arg9[%scan3A_27, %dma_start3A, %dma_start3A_41] : memref<40x125x16xf32, #tpu.memory_space<vmem>> -> memref<1x125x16xf32, #tpu.memory_space<vmem>>
      %dma_start3A_43 = tpu.memref_squeeze %dma_start3A_42 : memref<1x125x16xf32, #tpu.memory_space<vmem>> -> memref<125x16xf32, #tpu.memory_space<vmem>>
      %dma_start3A_44 = arith.constant 0 : i32
      %dma_start3A_45 = tpu.memref_slice %arg8[%add3A_40, %dma_start3A_44] : memref<40x125xi32, #tpu.memory_space<vmem>> -> memref<1x125xi32, #tpu.memory_space<vmem>>
      %dma_start3A_46 = tpu.memref_squeeze %dma_start3A_45 : memref<1x125xi32, #tpu.memory_space<vmem>> -> memref<125xi32, #tpu.memory_space<vmem>>
      %dma_start3A_47 = arith.constant 0 : i32
      %dma_start3A_48 = arith.constant 0 : i32
      %dma_start3A_49 = tpu.memref_slice %arg10[%dma_start3A_47, %dma_start3A_48] : memref<10240x16xf32, #tpu.memory_space<vmem_shared>> -> memref<10240x16xf32, #tpu.memory_space<vmem_shared>>
      tpu.enqueue_indirect_dma source(%dma_start3A_43 : memref<125x16xf32, #tpu.memory_space<vmem>>) target(%dma_start3A_49 : memref<10240x16xf32, #tpu.memory_space<vmem_shared>>) offsets(%dma_start3A_46 : memref<125xi32, #tpu.memory_space<vmem>>) semaphore(%arg12 : memref<!tpu.dma_semaphore, #tpu.memory_space<semaphore_mem>>) {add = true}
    }
    %scan3A_15 = arith.constant 40 : i32
    %scan3A_16 = arith.constant 0 : i32
    %scan3A_17 = arith.constant 0 : i32
    %scan3A_18 = arith.constant 40 : i32
    %scan3A_19 = arith.addi %scan3A_17, %scan3A_18 : i32
    %scan3A_20 = arith.constant 1 : i32
    scf.for %scan3A_27 = %scan3A_17 to %scan3A_19 step %scan3A_20  : i32 {
      %add3A_28 = arith.constant 0 : i32
      %add3A_29 = arith.addi %add3A_28, %scan3A_27 : i32
      %dma_wait3A = arith.constant 0 : i32
      %dma_wait3A_30 = arith.constant 0 : i32
      %dma_wait3A_31 = tpu.memref_slice %arg9[%scan3A_27, %dma_wait3A, %dma_wait3A_30] : memref<40x125x16xf32, #tpu.memory_space<vmem>> -> memref<1x125x16xf32, #tpu.memory_space<vmem>>
      %dma_wait3A_32 = tpu.memref_squeeze %dma_wait3A_31 : memref<1x125x16xf32, #tpu.memory_space<vmem>> -> memref<125x16xf32, #tpu.memory_space<vmem>>
      %dma_wait3A_33 = arith.constant 0 : i32
      %dma_wait3A_34 = tpu.memref_slice %arg8[%add3A_29, %dma_wait3A_33] : memref<40x125xi32, #tpu.memory_space<vmem>> -> memref<1x125xi32, #tpu.memory_space<vmem>>
      %dma_wait3A_35 = tpu.memref_squeeze %dma_wait3A_34 : memref<1x125xi32, #tpu.memory_space<vmem>> -> memref<125xi32, #tpu.memory_space<vmem>>
      %dma_wait3A_36 = arith.constant 0 : i32
      %dma_wait3A_37 = arith.constant 0 : i32
      %dma_wait3A_38 = tpu.memref_slice %arg10[%dma_wait3A_36, %dma_wait3A_37] : memref<10240x16xf32, #tpu.memory_space<vmem_shared>> -> memref<10240x16xf32, #tpu.memory_space<vmem_shared>>
      tpu.wait_indirect_dma semaphore(%arg12 : memref<!tpu.dma_semaphore, #tpu.memory_space<semaphore_mem>>) src(%dma_wait3A_32 : memref<125x16xf32, #tpu.memory_space<vmem>>) dst(%dma_wait3A_38 : memref<10240x16xf32, #tpu.memory_space<vmem_shared>>)
    }
    %scan3A_21 = arith.constant 40 : i32
    %barrier3A_22 = arith.constant 0 : index
    tpu.barrier barrier_id(%barrier3A_22)
    %mul3A_23 = arith.constant 640 : i32
    %mul3A_24 = arith.muli %arg1, %mul3A_23 : i32
    %mul3A_25 = arith.constant 640 : i32
    %mul3A_26 = arith.muli %arg1, %mul3A_25 : i32
    "tpu.region"() ({
      %run_scoped3A = tpu.sem_alloc : memref<!tpu.dma_semaphore, #tpu.memory_space<semaphore_mem>>
      %dma_start3A = arith.constant 0 : i32
      %dma_start3A_27 = tpu.memref_slice %arg6[%arg0, %mul3A_26, %dma_start3A] : memref<2x10240x16xf32, #tpu.memory_space<hbm>> -> memref<1x640x16xf32, #tpu.memory_space<hbm>>
      %dma_start3A_28 = tpu.memref_squeeze %dma_start3A_27 : memref<1x640x16xf32, #tpu.memory_space<hbm>> -> memref<640x16xf32, #tpu.memory_space<hbm>>
      %dma_start3A_29 = arith.constant 0 : i32
      %dma_start3A_30 = tpu.memref_slice %arg10[%mul3A_24, %dma_start3A_29] : memref<10240x16xf32, #tpu.memory_space<vmem_shared>> -> memref<640x16xf32, #tpu.memory_space<vmem_shared>>
      tpu.enqueue_dma source(%dma_start3A_30 : memref<640x16xf32, #tpu.memory_space<vmem_shared>>) target(%dma_start3A_28 : memref<640x16xf32, #tpu.memory_space<hbm>>) target_semaphore(%run_scoped3A : memref<!tpu.dma_semaphore, #tpu.memory_space<semaphore_mem>>)
      %dma_wait3A = arith.constant 0 : i32
      %dma_wait3A_31 = tpu.memref_slice %arg6[%arg0, %mul3A_26, %dma_wait3A] : memref<2x10240x16xf32, #tpu.memory_space<hbm>> -> memref<1x640x16xf32, #tpu.memory_space<hbm>>
      %dma_wait3A_32 = tpu.memref_squeeze %dma_wait3A_31 : memref<1x640x16xf32, #tpu.memory_space<hbm>> -> memref<640x16xf32, #tpu.memory_space<hbm>>
      %dma_wait3A_33 = arith.constant 0 : i32
      %dma_wait3A_34 = tpu.memref_slice %arg10[%mul3A_24, %dma_wait3A_33] : memref<10240x16xf32, #tpu.memory_space<vmem_shared>> -> memref<640x16xf32, #tpu.memory_space<vmem_shared>>
      tpu.wait_dma2 semaphore(%run_scoped3A : memref<!tpu.dma_semaphore, #tpu.memory_space<semaphore_mem>>) src(%dma_wait3A_34 : memref<640x16xf32, #tpu.memory_space<vmem_shared>>) dst(%dma_wait3A_32 : memref<640x16xf32, #tpu.memory_space<hbm>>)
      tpu.yield
    }) : () -> ()
    return
  }
}

#map = affine_map<(d0, d1) -> (0, 0, 0)>
#map1 = affine_map<(d0, d1) -> (0, 0)>
module attributes {stable_mosaic.version = 14 : i64} {
  func.func @_scat_body(%arg0: i32, %arg1: i32, %arg2: memref<32x40x125xi32, #tpu.memory_space<hbm>>, %arg3: memref<32x40x125xi32, #tpu.memory_space<hbm>>, %arg4: memref<10000x16xf32, #tpu.memory_space<hbm>>, %arg5: memref<10240x16xf32, #tpu.memory_space<hbm>>, %arg6: memref<2x10240x16xf32, #tpu.memory_space<hbm>>, %arg7: memref<40x125xi32, #tpu.memory_space<vmem>>, %arg8: memref<40x125xi32, #tpu.memory_space<vmem>>, %arg9: memref<40x125x16xf32, #tpu.memory_space<vmem>>, %arg10: memref<10240x16xf32, #tpu.memory_space<vmem_shared>>, %arg11: memref<!tpu.dma_semaphore, #tpu.memory_space<semaphore_mem>>, %arg12: memref<!tpu.dma_semaphore, #tpu.memory_space<semaphore_mem>>) attributes {dimension_semantics = [#tpu.dimension_semantics<core_parallel>, #tpu.dimension_semantics<subcore_parallel>], iteration_bounds = array<i64: 2, 16>, scalar_prefetch = 0 : i64, scratch_operands = 6 : i64, tpu.core_type = #tpu.core_type<sc_vector_subcore>, window_params = [{transform_indices = #map}, {transform_indices = #map}, {transform_indices = #map1}, {transform_indices = #map1}, {transform_indices = #map}]} {
    %mul3A = arith.constant 16 : i32
    %mul3A_0 = arith.muli %arg0, %mul3A : i32
    %add3A = arith.addi %mul3A_0, %arg1 : i32
    %mul3A_1 = arith.constant 640 : i32
    %mul3A_2 = arith.muli %arg1, %mul3A_1 : i32
    %mul3A_3 = arith.constant 640 : i32
    %mul3A_4 = arith.muli %arg1, %mul3A_3 : i32
    "tpu.region"() ({
      %run_scoped3A = tpu.sem_alloc : memref<!tpu.dma_semaphore, #tpu.memory_space<semaphore_mem>>
      %dma_start3A = arith.constant 0 : i32
      %dma_start3A_27 = tpu.memref_slice %arg10[%mul3A_4, %dma_start3A] : memref<10240x16xf32, #tpu.memory_space<vmem_shared>> -> memref<640x16xf32, #tpu.memory_space<vmem_shared>>
      %dma_start3A_28 = arith.constant 0 : i32
      %dma_start3A_29 = tpu.memref_slice %arg5[%mul3A_2, %dma_start3A_28] : memref<10240x16xf32, #tpu.memory_space<hbm>> -> memref<640x16xf32, #tpu.memory_space<hbm>>
      tpu.enqueue_dma source(%dma_start3A_29 : memref<640x16xf32, #tpu.memory_space<hbm>>) target(%dma_start3A_27 : memref<640x16xf32, #tpu.memory_space<vmem_shared>>) target_semaphore(%run_scoped3A : memref<!tpu.dma_semaphore, #tpu.memory_space<semaphore_mem>>)
      %dma_wait3A = arith.constant 0 : i32
      %dma_wait3A_30 = tpu.memref_slice %arg10[%mul3A_4, %dma_wait3A] : memref<10240x16xf32, #tpu.memory_space<vmem_shared>> -> memref<640x16xf32, #tpu.memory_space<vmem_shared>>
      %dma_wait3A_31 = arith.constant 0 : i32
      %dma_wait3A_32 = tpu.memref_slice %arg5[%mul3A_2, %dma_wait3A_31] : memref<10240x16xf32, #tpu.memory_space<hbm>> -> memref<640x16xf32, #tpu.memory_space<hbm>>
      tpu.wait_dma2 semaphore(%run_scoped3A : memref<!tpu.dma_semaphore, #tpu.memory_space<semaphore_mem>>) src(%dma_wait3A_32 : memref<640x16xf32, #tpu.memory_space<hbm>>) dst(%dma_wait3A_30 : memref<640x16xf32, #tpu.memory_space<vmem_shared>>)
      tpu.yield
    }) : () -> ()
    "tpu.region"() ({
      %run_scoped3A = tpu.sem_alloc : memref<!tpu.dma_semaphore, #tpu.memory_space<semaphore_mem>>
      %dma_start3A = arith.constant 0 : i32
      %dma_start3A_27 = arith.constant 0 : i32
      %dma_start3A_28 = tpu.memref_slice %arg2[%add3A, %dma_start3A, %dma_start3A_27] : memref<32x40x125xi32, #tpu.memory_space<hbm>> -> memref<1x40x125xi32, #tpu.memory_space<hbm>>
      %dma_start3A_29 = tpu.memref_squeeze %dma_start3A_28 : memref<1x40x125xi32, #tpu.memory_space<hbm>> -> memref<40x125xi32, #tpu.memory_space<hbm>>
      %dma_start3A_30 = arith.constant 0 : i32
      %dma_start3A_31 = arith.constant 0 : i32
      %dma_start3A_32 = tpu.memref_slice %arg2[%add3A, %dma_start3A_30, %dma_start3A_31] : memref<32x40x125xi32, #tpu.memory_space<hbm>> -> memref<1x40x125xi32, #tpu.memory_space<hbm>>
      %dma_start3A_33 = tpu.memref_squeeze %dma_start3A_32 : memref<1x40x125xi32, #tpu.memory_space<hbm>> -> memref<40x125xi32, #tpu.memory_space<hbm>>
      tpu.enqueue_dma source(%dma_start3A_33 : memref<40x125xi32, #tpu.memory_space<hbm>>) target(%arg7 : memref<40x125xi32, #tpu.memory_space<vmem>>) target_semaphore(%run_scoped3A : memref<!tpu.dma_semaphore, #tpu.memory_space<semaphore_mem>>)
      %dma_wait3A = arith.constant 0 : i32
      %dma_wait3A_34 = arith.constant 0 : i32
      %dma_wait3A_35 = tpu.memref_slice %arg2[%add3A, %dma_wait3A, %dma_wait3A_34] : memref<32x40x125xi32, #tpu.memory_space<hbm>> -> memref<1x40x125xi32, #tpu.memory_space<hbm>>
      %dma_wait3A_36 = tpu.memref_squeeze %dma_wait3A_35 : memref<1x40x125xi32, #tpu.memory_space<hbm>> -> memref<40x125xi32, #tpu.memory_space<hbm>>
      %dma_wait3A_37 = arith.constant 0 : i32
      %dma_wait3A_38 = arith.constant 0 : i32
      %dma_wait3A_39 = tpu.memref_slice %arg2[%add3A, %dma_wait3A_37, %dma_wait3A_38] : memref<32x40x125xi32, #tpu.memory_space<hbm>> -> memref<1x40x125xi32, #tpu.memory_space<hbm>>
      %dma_wait3A_40 = tpu.memref_squeeze %dma_wait3A_39 : memref<1x40x125xi32, #tpu.memory_space<hbm>> -> memref<40x125xi32, #tpu.memory_space<hbm>>
      tpu.wait_dma2 semaphore(%run_scoped3A : memref<!tpu.dma_semaphore, #tpu.memory_space<semaphore_mem>>) src(%dma_wait3A_40 : memref<40x125xi32, #tpu.memory_space<hbm>>) dst(%arg7 : memref<40x125xi32, #tpu.memory_space<vmem>>)
      tpu.yield
    }) : () -> ()
    "tpu.region"() ({
      %run_scoped3A = tpu.sem_alloc : memref<!tpu.dma_semaphore, #tpu.memory_space<semaphore_mem>>
      %dma_start3A = arith.constant 0 : i32
      %dma_start3A_27 = arith.constant 0 : i32
      %dma_start3A_28 = tpu.memref_slice %arg3[%add3A, %dma_start3A, %dma_start3A_27] : memref<32x40x125xi32, #tpu.memory_space<hbm>> -> memref<1x40x125xi32, #tpu.memory_space<hbm>>
      %dma_start3A_29 = tpu.memref_squeeze %dma_start3A_28 : memref<1x40x125xi32, #tpu.memory_space<hbm>> -> memref<40x125xi32, #tpu.memory_space<hbm>>
      %dma_start3A_30 = arith.constant 0 : i32
      %dma_start3A_31 = arith.constant 0 : i32
      %dma_start3A_32 = tpu.memref_slice %arg3[%add3A, %dma_start3A_30, %dma_start3A_31] : memref<32x40x125xi32, #tpu.memory_space<hbm>> -> memref<1x40x125xi32, #tpu.memory_space<hbm>>
      %dma_start3A_33 = tpu.memref_squeeze %dma_start3A_32 : memref<1x40x125xi32, #tpu.memory_space<hbm>> -> memref<40x125xi32, #tpu.memory_space<hbm>>
      tpu.enqueue_dma source(%dma_start3A_33 : memref<40x125xi32, #tpu.memory_space<hbm>>) target(%arg8 : memref<40x125xi32, #tpu.memory_space<vmem>>) target_semaphore(%run_scoped3A : memref<!tpu.dma_semaphore, #tpu.memory_space<semaphore_mem>>)
      %dma_wait3A = arith.constant 0 : i32
      %dma_wait3A_34 = arith.constant 0 : i32
      %dma_wait3A_35 = tpu.memref_slice %arg3[%add3A, %dma_wait3A, %dma_wait3A_34] : memref<32x40x125xi32, #tpu.memory_space<hbm>> -> memref<1x40x125xi32, #tpu.memory_space<hbm>>
      %dma_wait3A_36 = tpu.memref_squeeze %dma_wait3A_35 : memref<1x40x125xi32, #tpu.memory_space<hbm>> -> memref<40x125xi32, #tpu.memory_space<hbm>>
      %dma_wait3A_37 = arith.constant 0 : i32
      %dma_wait3A_38 = arith.constant 0 : i32
      %dma_wait3A_39 = tpu.memref_slice %arg3[%add3A, %dma_wait3A_37, %dma_wait3A_38] : memref<32x40x125xi32, #tpu.memory_space<hbm>> -> memref<1x40x125xi32, #tpu.memory_space<hbm>>
      %dma_wait3A_40 = tpu.memref_squeeze %dma_wait3A_39 : memref<1x40x125xi32, #tpu.memory_space<hbm>> -> memref<40x125xi32, #tpu.memory_space<hbm>>
      tpu.wait_dma2 semaphore(%run_scoped3A : memref<!tpu.dma_semaphore, #tpu.memory_space<semaphore_mem>>) src(%dma_wait3A_40 : memref<40x125xi32, #tpu.memory_space<hbm>>) dst(%arg8 : memref<40x125xi32, #tpu.memory_space<vmem>>)
      tpu.yield
    }) : () -> ()
    %barrier3A = arith.constant 0 : index
    tpu.barrier barrier_id(%barrier3A)
    %scan3A = arith.constant 0 : i32
    %scan3A_5 = arith.constant 0 : i32
    %scan3A_6 = arith.constant 40 : i32
    %scan3A_7 = arith.addi %scan3A_5, %scan3A_6 : i32
    %scan3A_8 = arith.constant 1 : i32
    scf.for %scan3A_27 = %scan3A_5 to %scan3A_7 step %scan3A_8  : i32 {
      %add3A_28 = arith.constant 0 : i32
      %add3A_29 = arith.addi %add3A_28, %scan3A_27 : i32
      %dma_start3A = arith.constant 0 : i32
      %dma_start3A_30 = arith.constant 0 : i32
      %dma_start3A_31 = tpu.memref_slice %arg9[%scan3A_27, %dma_start3A, %dma_start3A_30] : memref<40x125x16xf32, #tpu.memory_space<vmem>> -> memref<1x125x16xf32, #tpu.memory_space<vmem>>
      %dma_start3A_32 = tpu.memref_squeeze %dma_start3A_31 : memref<1x125x16xf32, #tpu.memory_space<vmem>> -> memref<125x16xf32, #tpu.memory_space<vmem>>
      %dma_start3A_33 = arith.constant 0 : i32
      %dma_start3A_34 = tpu.memref_slice %arg7[%add3A_29, %dma_start3A_33] : memref<40x125xi32, #tpu.memory_space<vmem>> -> memref<1x125xi32, #tpu.memory_space<vmem>>
      %dma_start3A_35 = tpu.memref_squeeze %dma_start3A_34 : memref<1x125xi32, #tpu.memory_space<vmem>> -> memref<125xi32, #tpu.memory_space<vmem>>
      %dma_start3A_36 = arith.constant 0 : i32
      %dma_start3A_37 = arith.constant 0 : i32
      %dma_start3A_38 = tpu.memref_slice %arg4[%dma_start3A_36, %dma_start3A_37] : memref<10000x16xf32, #tpu.memory_space<hbm>> -> memref<10000x16xf32, #tpu.memory_space<hbm>>
      tpu.enqueue_indirect_dma source(%dma_start3A_38 : memref<10000x16xf32, #tpu.memory_space<hbm>>) target(%dma_start3A_32 : memref<125x16xf32, #tpu.memory_space<vmem>>) offsets(%dma_start3A_35 : memref<125xi32, #tpu.memory_space<vmem>>) semaphore(%arg11 : memref<!tpu.dma_semaphore, #tpu.memory_space<semaphore_mem>>)
    }
    %scan3A_9 = arith.constant 40 : i32
    %scan3A_10 = arith.constant 0 : i32
    %scan3A_11 = arith.constant 0 : i32
    %scan3A_12 = arith.constant 40 : i32
    %scan3A_13 = arith.addi %scan3A_11, %scan3A_12 : i32
    %scan3A_14 = arith.constant 1 : i32
    scf.for %scan3A_27 = %scan3A_11 to %scan3A_13 step %scan3A_14  : i32 {
      %add3A_28 = arith.constant 0 : i32
      %add3A_29 = arith.addi %add3A_28, %scan3A_27 : i32
      %dma_wait3A = arith.constant 0 : i32
      %dma_wait3A_30 = arith.constant 0 : i32
      %dma_wait3A_31 = tpu.memref_slice %arg9[%scan3A_27, %dma_wait3A, %dma_wait3A_30] : memref<40x125x16xf32, #tpu.memory_space<vmem>> -> memref<1x125x16xf32, #tpu.memory_space<vmem>>
      %dma_wait3A_32 = tpu.memref_squeeze %dma_wait3A_31 : memref<1x125x16xf32, #tpu.memory_space<vmem>> -> memref<125x16xf32, #tpu.memory_space<vmem>>
      %dma_wait3A_33 = arith.constant 0 : i32
      %dma_wait3A_34 = tpu.memref_slice %arg7[%add3A_29, %dma_wait3A_33] : memref<40x125xi32, #tpu.memory_space<vmem>> -> memref<1x125xi32, #tpu.memory_space<vmem>>
      %dma_wait3A_35 = tpu.memref_squeeze %dma_wait3A_34 : memref<1x125xi32, #tpu.memory_space<vmem>> -> memref<125xi32, #tpu.memory_space<vmem>>
      %dma_wait3A_36 = arith.constant 0 : i32
      %dma_wait3A_37 = arith.constant 0 : i32
      %dma_wait3A_38 = tpu.memref_slice %arg4[%dma_wait3A_36, %dma_wait3A_37] : memref<10000x16xf32, #tpu.memory_space<hbm>> -> memref<10000x16xf32, #tpu.memory_space<hbm>>
      tpu.wait_indirect_dma semaphore(%arg11 : memref<!tpu.dma_semaphore, #tpu.memory_space<semaphore_mem>>) src(%dma_wait3A_38 : memref<10000x16xf32, #tpu.memory_space<hbm>>) dst(%dma_wait3A_32 : memref<125x16xf32, #tpu.memory_space<vmem>>)
      %add3A_39 = arith.constant 0 : i32
      %add3A_40 = arith.addi %add3A_39, %scan3A_27 : i32
      %dma_start3A = arith.constant 0 : i32
      %dma_start3A_41 = arith.constant 0 : i32
      %dma_start3A_42 = tpu.memref_slice %arg9[%scan3A_27, %dma_start3A, %dma_start3A_41] : memref<40x125x16xf32, #tpu.memory_space<vmem>> -> memref<1x125x16xf32, #tpu.memory_space<vmem>>
      %dma_start3A_43 = tpu.memref_squeeze %dma_start3A_42 : memref<1x125x16xf32, #tpu.memory_space<vmem>> -> memref<125x16xf32, #tpu.memory_space<vmem>>
      %dma_start3A_44 = arith.constant 0 : i32
      %dma_start3A_45 = tpu.memref_slice %arg8[%add3A_40, %dma_start3A_44] : memref<40x125xi32, #tpu.memory_space<vmem>> -> memref<1x125xi32, #tpu.memory_space<vmem>>
      %dma_start3A_46 = tpu.memref_squeeze %dma_start3A_45 : memref<1x125xi32, #tpu.memory_space<vmem>> -> memref<125xi32, #tpu.memory_space<vmem>>
      %dma_start3A_47 = arith.constant 0 : i32
      %dma_start3A_48 = arith.constant 0 : i32
      %dma_start3A_49 = tpu.memref_slice %arg10[%dma_start3A_47, %dma_start3A_48] : memref<10240x16xf32, #tpu.memory_space<vmem_shared>> -> memref<10240x16xf32, #tpu.memory_space<vmem_shared>>
      tpu.enqueue_indirect_dma source(%dma_start3A_43 : memref<125x16xf32, #tpu.memory_space<vmem>>) target(%dma_start3A_49 : memref<10240x16xf32, #tpu.memory_space<vmem_shared>>) offsets(%dma_start3A_46 : memref<125xi32, #tpu.memory_space<vmem>>) semaphore(%arg12 : memref<!tpu.dma_semaphore, #tpu.memory_space<semaphore_mem>>) {add = true}
    }
    %scan3A_15 = arith.constant 40 : i32
    %scan3A_16 = arith.constant 0 : i32
    %scan3A_17 = arith.constant 0 : i32
    %scan3A_18 = arith.constant 40 : i32
    %scan3A_19 = arith.addi %scan3A_17, %scan3A_18 : i32
    %scan3A_20 = arith.constant 1 : i32
    scf.for %scan3A_27 = %scan3A_17 to %scan3A_19 step %scan3A_20  : i32 {
      %add3A_28 = arith.constant 0 : i32
      %add3A_29 = arith.addi %add3A_28, %scan3A_27 : i32
      %dma_wait3A = arith.constant 0 : i32
      %dma_wait3A_30 = arith.constant 0 : i32
      %dma_wait3A_31 = tpu.memref_slice %arg9[%scan3A_27, %dma_wait3A, %dma_wait3A_30] : memref<40x125x16xf32, #tpu.memory_space<vmem>> -> memref<1x125x16xf32, #tpu.memory_space<vmem>>
      %dma_wait3A_32 = tpu.memref_squeeze %dma_wait3A_31 : memref<1x125x16xf32, #tpu.memory_space<vmem>> -> memref<125x16xf32, #tpu.memory_space<vmem>>
      %dma_wait3A_33 = arith.constant 0 : i32
      %dma_wait3A_34 = tpu.memref_slice %arg8[%add3A_29, %dma_wait3A_33] : memref<40x125xi32, #tpu.memory_space<vmem>> -> memref<1x125xi32, #tpu.memory_space<vmem>>
      %dma_wait3A_35 = tpu.memref_squeeze %dma_wait3A_34 : memref<1x125xi32, #tpu.memory_space<vmem>> -> memref<125xi32, #tpu.memory_space<vmem>>
      %dma_wait3A_36 = arith.constant 0 : i32
      %dma_wait3A_37 = arith.constant 0 : i32
      %dma_wait3A_38 = tpu.memref_slice %arg10[%dma_wait3A_36, %dma_wait3A_37] : memref<10240x16xf32, #tpu.memory_space<vmem_shared>> -> memref<10240x16xf32, #tpu.memory_space<vmem_shared>>
      tpu.wait_indirect_dma semaphore(%arg12 : memref<!tpu.dma_semaphore, #tpu.memory_space<semaphore_mem>>) src(%dma_wait3A_32 : memref<125x16xf32, #tpu.memory_space<vmem>>) dst(%dma_wait3A_38 : memref<10240x16xf32, #tpu.memory_space<vmem_shared>>)
    }
    %scan3A_21 = arith.constant 40 : i32
    %barrier3A_22 = arith.constant 0 : index
    tpu.barrier barrier_id(%barrier3A_22)
    %mul3A_23 = arith.constant 640 : i32
    %mul3A_24 = arith.muli %arg1, %mul3A_23 : i32
    %mul3A_25 = arith.constant 640 : i32
    %mul3A_26 = arith.muli %arg1, %mul3A_25 : i32
    "tpu.region"() ({
      %run_scoped3A = tpu.sem_alloc : memref<!tpu.dma_semaphore, #tpu.memory_space<semaphore_mem>>
      %dma_start3A = arith.constant 0 : i32
      %dma_start3A_27 = tpu.memref_slice %arg6[%arg0, %mul3A_26, %dma_start3A] : memref<2x10240x16xf32, #tpu.memory_space<hbm>> -> memref<1x640x16xf32, #tpu.memory_space<hbm>>
      %dma_start3A_28 = tpu.memref_squeeze %dma_start3A_27 : memref<1x640x16xf32, #tpu.memory_space<hbm>> -> memref<640x16xf32, #tpu.memory_space<hbm>>
      %dma_start3A_29 = arith.constant 0 : i32
      %dma_start3A_30 = tpu.memref_slice %arg10[%mul3A_24, %dma_start3A_29] : memref<10240x16xf32, #tpu.memory_space<vmem_shared>> -> memref<640x16xf32, #tpu.memory_space<vmem_shared>>
      tpu.enqueue_dma source(%dma_start3A_30 : memref<640x16xf32, #tpu.memory_space<vmem_shared>>) target(%dma_start3A_28 : memref<640x16xf32, #tpu.memory_space<hbm>>) target_semaphore(%run_scoped3A : memref<!tpu.dma_semaphore, #tpu.memory_space<semaphore_mem>>)
      %dma_wait3A = arith.constant 0 : i32
      %dma_wait3A_31 = tpu.memref_slice %arg6[%arg0, %mul3A_26, %dma_wait3A] : memref<2x10240x16xf32, #tpu.memory_space<hbm>> -> memref<1x640x16xf32, #tpu.memory_space<hbm>>
      %dma_wait3A_32 = tpu.memref_squeeze %dma_wait3A_31 : memref<1x640x16xf32, #tpu.memory_space<hbm>> -> memref<640x16xf32, #tpu.memory_space<hbm>>
      %dma_wait3A_33 = arith.constant 0 : i32
      %dma_wait3A_34 = tpu.memref_slice %arg10[%mul3A_24, %dma_wait3A_33] : memref<10240x16xf32, #tpu.memory_space<vmem_shared>> -> memref<640x16xf32, #tpu.memory_space<vmem_shared>>
      tpu.wait_dma2 semaphore(%run_scoped3A : memref<!tpu.dma_semaphore, #tpu.memory_space<semaphore_mem>>) src(%dma_wait3A_34 : memref<640x16xf32, #tpu.memory_space<vmem_shared>>) dst(%dma_wait3A_32 : memref<640x16xf32, #tpu.memory_space<hbm>>)
      tpu.yield
    }) : () -> ()
    return
  }
}

module attributes {stable_mosaic.version = 14 : i64} {
  func.func @_tc0_body(%arg0: memref<10000x256xf32, #tpu.memory_space<vmem>>, %arg1: memref<256x16xf32, #tpu.memory_space<vmem>>, %arg2: memref<1250x128xf32, #tpu.memory_space<vmem>>) attributes {dimension_semantics = [], scalar_prefetch = 0 : i64, scratch_operands = 0 : i64, tpu.core_type = #tpu.core_type<tc>} {
    %get3A = arith.constant 0 : index
    %get3A_0 = arith.constant 0 : index
    %get3A_1 = vector.load %arg0[%get3A, %get3A_0] : memref<10000x256xf32, #tpu.memory_space<vmem>>, vector<1250x256xf32>
    %get3A_2 = arith.constant 0 : index
    %get3A_3 = arith.constant 0 : index
    %get3A_4 = vector.load %arg1[%get3A_2, %get3A_3] : memref<256x16xf32, #tpu.memory_space<vmem>>, vector<256x16xf32>
    %dot_general3A = arith.constant dense<0.000000e+00> : vector<1250x16xf32>
    %dot_general3A_5 = tpu.matmul %get3A_1, %get3A_4, %dot_general3A {dimension_numbers = #tpu.dot_dimension_numbers<[1], [0], [0], [1], [0, 0, 1, 1], [], []>, transpose_lhs_hint = false} : vector<1250x256xf32>, vector<256x16xf32>, vector<1250x16xf32> -> vector<1250x16xf32>
    %swap3A = arith.constant 0 : index
    %swap3A_6 = arith.constant 0 : index
    %swap3A_7 = vector.load %arg2[%swap3A, %swap3A_6] : memref<1250x128xf32, #tpu.memory_space<vmem>>, vector<1250x16xf32>
    tpu.vector_store %arg2[%swap3A, %swap3A_6], %dot_general3A_5 {strides = array<i32>} : memref<1250x128xf32, #tpu.memory_space<vmem>>, vector<1250x16xf32>,
    %get3A_8 = arith.constant 1250 : index
    %get3A_9 = arith.constant 0 : index
    %get3A_10 = vector.load %arg0[%get3A_8, %get3A_9] : memref<10000x256xf32, #tpu.memory_space<vmem>>, vector<1250x256xf32>
    %get3A_11 = arith.constant 0 : index
    %get3A_12 = arith.constant 0 : index
    %get3A_13 = vector.load %arg1[%get3A_11, %get3A_12] : memref<256x16xf32, #tpu.memory_space<vmem>>, vector<256x16xf32>
    %dot_general3A_14 = arith.constant dense<0.000000e+00> : vector<1250x16xf32>
    %dot_general3A_15 = tpu.matmul %get3A_10, %get3A_13, %dot_general3A_14 {dimension_numbers = #tpu.dot_dimension_numbers<[1], [0], [0], [1], [0, 0, 1, 1], [], []>, transpose_lhs_hint = false} : vector<1250x256xf32>, vector<256x16xf32>, vector<1250x16xf32> -> vector<1250x16xf32>
    %swap3A_16 = arith.constant 0 : index
    %swap3A_17 = arith.constant 16 : index
    %swap3A_18 = vector.load %arg2[%swap3A_16, %swap3A_17] : memref<1250x128xf32, #tpu.memory_space<vmem>>, vector<1250x16xf32>
    tpu.vector_store %arg2[%swap3A_16, %swap3A_17], %dot_general3A_15 {strides = array<i32>} : memref<1250x128xf32, #tpu.memory_space<vmem>>, vector<1250x16xf32>,
    %get3A_19 = arith.constant 2500 : index
    %get3A_20 = arith.constant 0 : index
    %get3A_21 = vector.load %arg0[%get3A_19, %get3A_20] : memref<10000x256xf32, #tpu.memory_space<vmem>>, vector<1250x256xf32>
    %get3A_22 = arith.constant 0 : index
    %get3A_23 = arith.constant 0 : index
    %get3A_24 = vector.load %arg1[%get3A_22, %get3A_23] : memref<256x16xf32, #tpu.memory_space<vmem>>, vector<256x16xf32>
    %dot_general3A_25 = arith.constant dense<0.000000e+00> : vector<1250x16xf32>
    %dot_general3A_26 = tpu.matmul %get3A_21, %get3A_24, %dot_general3A_25 {dimension_numbers = #tpu.dot_dimension_numbers<[1], [0], [0], [1], [0, 0, 1, 1], [], []>, transpose_lhs_hint = false} : vector<1250x256xf32>, vector<256x16xf32>, vector<1250x16xf32> -> vector<1250x16xf32>
    %swap3A_27 = arith.constant 0 : index
    %swap3A_28 = arith.constant 32 : index
    %swap3A_29 = vector.load %arg2[%swap3A_27, %swap3A_28] : memref<1250x128xf32, #tpu.memory_space<vmem>>, vector<1250x16xf32>
    tpu.vector_store %arg2[%swap3A_27, %swap3A_28], %dot_general3A_26 {strides = array<i32>} : memref<1250x128xf32, #tpu.memory_space<vmem>>, vector<1250x16xf32>,
    %get3A_30 = arith.constant 3750 : index
    %get3A_31 = arith.constant 0 : index
    %get3A_32 = vector.load %arg0[%get3A_30, %get3A_31] : memref<10000x256xf32, #tpu.memory_space<vmem>>, vector<1250x256xf32>
    %get3A_33 = arith.constant 0 : index
    %get3A_34 = arith.constant 0 : index
    %get3A_35 = vector.load %arg1[%get3A_33, %get3A_34] : memref<256x16xf32, #tpu.memory_space<vmem>>, vector<256x16xf32>
    %dot_general3A_36 = arith.constant dense<0.000000e+00> : vector<1250x16xf32>
    %dot_general3A_37 = tpu.matmul %get3A_32, %get3A_35, %dot_general3A_36 {dimension_numbers = #tpu.dot_dimension_numbers<[1], [0], [0], [1], [0, 0, 1, 1], [], []>, transpose_lhs_hint = false} : vector<1250x256xf32>, vector<256x16xf32>, vector<1250x16xf32> -> vector<1250x16xf32>
    %swap3A_38 = arith.constant 0 : index
    %swap3A_39 = arith.constant 48 : index
    %swap3A_40 = vector.load %arg2[%swap3A_38, %swap3A_39] : memref<1250x128xf32, #tpu.memory_space<vmem>>, vector<1250x16xf32>
    tpu.vector_store %arg2[%swap3A_38, %swap3A_39], %dot_general3A_37 {strides = array<i32>} : memref<1250x128xf32, #tpu.memory_space<vmem>>, vector<1250x16xf32>,
    %get3A_41 = arith.constant 5000 : index
    %get3A_42 = arith.constant 0 : index
    %get3A_43 = vector.load %arg0[%get3A_41, %get3A_42] : memref<10000x256xf32, #tpu.memory_space<vmem>>, vector<1250x256xf32>
    %get3A_44 = arith.constant 0 : index
    %get3A_45 = arith.constant 0 : index
    %get3A_46 = vector.load %arg1[%get3A_44, %get3A_45] : memref<256x16xf32, #tpu.memory_space<vmem>>, vector<256x16xf32>
    %dot_general3A_47 = arith.constant dense<0.000000e+00> : vector<1250x16xf32>
    %dot_general3A_48 = tpu.matmul %get3A_43, %get3A_46, %dot_general3A_47 {dimension_numbers = #tpu.dot_dimension_numbers<[1], [0], [0], [1], [0, 0, 1, 1], [], []>, transpose_lhs_hint = false} : vector<1250x256xf32>, vector<256x16xf32>, vector<1250x16xf32> -> vector<1250x16xf32>
    %swap3A_49 = arith.constant 0 : index
    %swap3A_50 = arith.constant 64 : index
    %swap3A_51 = vector.load %arg2[%swap3A_49, %swap3A_50] : memref<1250x128xf32, #tpu.memory_space<vmem>>, vector<1250x16xf32>
    tpu.vector_store %arg2[%swap3A_49, %swap3A_50], %dot_general3A_48 {strides = array<i32>} : memref<1250x128xf32, #tpu.memory_space<vmem>>, vector<1250x16xf32>,
    %get3A_52 = arith.constant 6250 : index
    %get3A_53 = arith.constant 0 : index
    %get3A_54 = vector.load %arg0[%get3A_52, %get3A_53] : memref<10000x256xf32, #tpu.memory_space<vmem>>, vector<1250x256xf32>
    %get3A_55 = arith.constant 0 : index
    %get3A_56 = arith.constant 0 : index
    %get3A_57 = vector.load %arg1[%get3A_55, %get3A_56] : memref<256x16xf32, #tpu.memory_space<vmem>>, vector<256x16xf32>
    %dot_general3A_58 = arith.constant dense<0.000000e+00> : vector<1250x16xf32>
    %dot_general3A_59 = tpu.matmul %get3A_54, %get3A_57, %dot_general3A_58 {dimension_numbers = #tpu.dot_dimension_numbers<[1], [0], [0], [1], [0, 0, 1, 1], [], []>, transpose_lhs_hint = false} : vector<1250x256xf32>, vector<256x16xf32>, vector<1250x16xf32> -> vector<1250x16xf32>
    %swap3A_60 = arith.constant 0 : index
    %swap3A_61 = arith.constant 80 : index
    %swap3A_62 = vector.load %arg2[%swap3A_60, %swap3A_61] : memref<1250x128xf32, #tpu.memory_space<vmem>>, vector<1250x16xf32>
    tpu.vector_store %arg2[%swap3A_60, %swap3A_61], %dot_general3A_59 {strides = array<i32>} : memref<1250x128xf32, #tpu.memory_space<vmem>>, vector<1250x16xf32>,
    %get3A_63 = arith.constant 7500 : index
    %get3A_64 = arith.constant 0 : index
    %get3A_65 = vector.load %arg0[%get3A_63, %get3A_64] : memref<10000x256xf32, #tpu.memory_space<vmem>>, vector<1250x256xf32>
    %get3A_66 = arith.constant 0 : index
    %get3A_67 = arith.constant 0 : index
    %get3A_68 = vector.load %arg1[%get3A_66, %get3A_67] : memref<256x16xf32, #tpu.memory_space<vmem>>, vector<256x16xf32>
    %dot_general3A_69 = arith.constant dense<0.000000e+00> : vector<1250x16xf32>
    %dot_general3A_70 = tpu.matmul %get3A_65, %get3A_68, %dot_general3A_69 {dimension_numbers = #tpu.dot_dimension_numbers<[1], [0], [0], [1], [0, 0, 1, 1], [], []>, transpose_lhs_hint = false} : vector<1250x256xf32>, vector<256x16xf32>, vector<1250x16xf32> -> vector<1250x16xf32>
    %swap3A_71 = arith.constant 0 : index
    %swap3A_72 = arith.constant 96 : index
    %swap3A_73 = vector.load %arg2[%swap3A_71, %swap3A_72] : memref<1250x128xf32, #tpu.memory_space<vmem>>, vector<1250x16xf32>
    tpu.vector_store %arg2[%swap3A_71, %swap3A_72], %dot_general3A_70 {strides = array<i32>} : memref<1250x128xf32, #tpu.memory_space<vmem>>, vector<1250x16xf32>,
    %get3A_74 = arith.constant 8750 : index
    %get3A_75 = arith.constant 0 : index
    %get3A_76 = vector.load %arg0[%get3A_74, %get3A_75] : memref<10000x256xf32, #tpu.memory_space<vmem>>, vector<1250x256xf32>
    %get3A_77 = arith.constant 0 : index
    %get3A_78 = arith.constant 0 : index
    %get3A_79 = vector.load %arg1[%get3A_77, %get3A_78] : memref<256x16xf32, #tpu.memory_space<vmem>>, vector<256x16xf32>
    %dot_general3A_80 = arith.constant dense<0.000000e+00> : vector<1250x16xf32>
    %dot_general3A_81 = tpu.matmul %get3A_76, %get3A_79, %dot_general3A_80 {dimension_numbers = #tpu.dot_dimension_numbers<[1], [0], [0], [1], [0, 0, 1, 1], [], []>, transpose_lhs_hint = false} : vector<1250x256xf32>, vector<256x16xf32>, vector<1250x16xf32> -> vector<1250x16xf32>
    %swap3A_82 = arith.constant 0 : index
    %swap3A_83 = arith.constant 112 : index
    %swap3A_84 = vector.load %arg2[%swap3A_82, %swap3A_83] : memref<1250x128xf32, #tpu.memory_space<vmem>>, vector<1250x16xf32>
    tpu.vector_store %arg2[%swap3A_82, %swap3A_83], %dot_general3A_81 {strides = array<i32>} : memref<1250x128xf32, #tpu.memory_space<vmem>>, vector<1250x16xf32>,
    return
  }
}

module attributes {stable_mosaic.version = 14 : i64} {
  func.func @_tc1_body(%arg0: memref<2x1280x128xf32, #tpu.memory_space<vmem>>, %arg1: memref<1250x128xf32, #tpu.memory_space<vmem>>, %arg2: memref<1250x128xf32, #tpu.memory_space<vmem>>, %arg3: memref<1280x128xf32, #tpu.memory_space<vmem>>) attributes {dimension_semantics = [], scalar_prefetch = 0 : i64, scratch_operands = 0 : i64, tpu.core_type = #tpu.core_type<tc>} {
    %get3A = arith.constant 0 : index
    %get3A_0 = arith.constant 0 : index
    %get3A_1 = arith.constant 0 : index
    %get3A_2 = vector.load %arg0[%get3A, %get3A_0, %get3A_1] : memref<2x1280x128xf32, #tpu.memory_space<vmem>>, vector<1x1280x128xf32>
    %get3A_3 = vector.shape_cast %get3A_2 : vector<1x1280x128xf32> to vector<1280x128xf32>
    %get3A_4 = arith.constant 1 : index
    %get3A_5 = arith.constant 0 : index
    %get3A_6 = arith.constant 0 : index
    %get3A_7 = vector.load %arg0[%get3A_4, %get3A_5, %get3A_6] : memref<2x1280x128xf32, #tpu.memory_space<vmem>>, vector<1x1280x128xf32>
    %get3A_8 = vector.shape_cast %get3A_7 : vector<1x1280x128xf32> to vector<1280x128xf32>
    %add3A = arith.addf %get3A_3, %get3A_8 : vector<1280x128xf32>
    %add3A_9 = arith.constant 1.000000e+00 : f32
    %add3A_10 = vector.broadcast %add3A_9 : f32 to vector<1280x128xf32>
    %add3A_11 = arith.addf %add3A, %add3A_10 : vector<1280x128xf32>
    %rsqrt3A = math.rsqrt %add3A_11 : vector<1280x128xf32>
    %swap3A = arith.constant 0 : index
    %swap3A_12 = arith.constant 0 : index
    %swap3A_13 = vector.load %arg3[%swap3A, %swap3A_12] : memref<1280x128xf32, #tpu.memory_space<vmem>>, vector<1280x128xf32>
    tpu.vector_store %arg3[%swap3A, %swap3A_12], %rsqrt3A {strides = array<i32>} : memref<1280x128xf32, #tpu.memory_space<vmem>>, vector<1280x128xf32>,
    %get3A_14 = arith.constant 0 : index
    %get3A_15 = arith.constant 0 : index
    %get3A_16 = vector.load %arg1[%get3A_14, %get3A_15] : memref<1250x128xf32, #tpu.memory_space<vmem>>, vector<1250x128xf32>
    %slice3A = vector.extract_strided_slice %rsqrt3A {offsets = [0, 0], sizes = [1250, 128], strides = [1, 1]} : vector<1280x128xf32> to vector<1250x128xf32>
    %mul3A = arith.mulf %get3A_16, %slice3A : vector<1250x128xf32>
    %swap3A_17 = arith.constant 0 : index
    %swap3A_18 = arith.constant 0 : index
    %swap3A_19 = vector.load %arg2[%swap3A_17, %swap3A_18] : memref<1250x128xf32, #tpu.memory_space<vmem>>, vector<1250x128xf32>
    tpu.vector_store %arg2[%swap3A_17, %swap3A_18], %mul3A {strides = array<i32>} : memref<1250x128xf32, #tpu.memory_space<vmem>>, vector<1250x128xf32>,
    return
  }
}

module attributes {stable_mosaic.version = 14 : i64} {
  func.func @_tc2_body(%arg0: memref<2x1280x128xf32, #tpu.memory_space<vmem>>, %arg1: memref<1250x128xf32, #tpu.memory_space<vmem>>, %arg2: memref<1280x128xf32, #tpu.memory_space<vmem>>, %arg3: memref<1x128xf32, #tpu.memory_space<vmem>>, %arg4: memref<1250x128xf32, #tpu.memory_space<vmem>>) attributes {dimension_semantics = [], scalar_prefetch = 0 : i64, scratch_operands = 0 : i64, tpu.core_type = #tpu.core_type<tc>} {
    %get3A = arith.constant 0 : index
    %get3A_0 = arith.constant 0 : index
    %get3A_1 = vector.load %arg2[%get3A, %get3A_0] : memref<1280x128xf32, #tpu.memory_space<vmem>>, vector<1250x128xf32>
    %get3A_2 = arith.constant 0 : index
    %get3A_3 = arith.constant 0 : index
    %get3A_4 = arith.constant 0 : index
    %get3A_5 = vector.load %arg0[%get3A_2, %get3A_3, %get3A_4] : memref<2x1280x128xf32, #tpu.memory_space<vmem>>, vector<1x1250x128xf32>
    %get3A_6 = vector.shape_cast %get3A_5 : vector<1x1250x128xf32> to vector<1250x128xf32>
    %get3A_7 = arith.constant 1 : index
    %get3A_8 = arith.constant 0 : index
    %get3A_9 = arith.constant 0 : index
    %get3A_10 = vector.load %arg0[%get3A_7, %get3A_8, %get3A_9] : memref<2x1280x128xf32, #tpu.memory_space<vmem>>, vector<1x1250x128xf32>
    %get3A_11 = vector.shape_cast %get3A_10 : vector<1x1250x128xf32> to vector<1250x128xf32>
    %add3A = arith.addf %get3A_6, %get3A_11 : vector<1250x128xf32>
    %get3A_12 = arith.constant 0 : index
    %get3A_13 = arith.constant 0 : index
    %get3A_14 = vector.load %arg1[%get3A_12, %get3A_13] : memref<1250x128xf32, #tpu.memory_space<vmem>>, vector<1250x128xf32>
    %add3A_15 = arith.addf %add3A, %get3A_14 : vector<1250x128xf32>
    %mul3A = arith.mulf %add3A_15, %get3A_1 : vector<1250x128xf32>
    %get3A_16 = arith.constant 0 : index
    %get3A_17 = arith.constant 0 : index
    %get3A_18 = vector.load %arg3[%get3A_16, %get3A_17] : memref<1x128xf32, #tpu.memory_space<vmem>>, vector<1x128xf32>
    %add3A_19 = vector.broadcast %get3A_18 : vector<1x128xf32> to vector<1250x128xf32>
    %add3A_20 = arith.addf %mul3A, %add3A_19 : vector<1250x128xf32>
    %max3A = arith.constant 0.000000e+00 : f32
    %max3A_21 = vector.broadcast %max3A : f32 to vector<1250x128xf32>
    %max3A_22 = arith.maximumf %add3A_20, %max3A_21 : vector<1250x128xf32>
    %mul3A_23 = arith.mulf %max3A_22, %get3A_1 : vector<1250x128xf32>
    %swap3A = arith.constant 0 : index
    %swap3A_24 = arith.constant 0 : index
    %swap3A_25 = vector.load %arg4[%swap3A, %swap3A_24] : memref<1250x128xf32, #tpu.memory_space<vmem>>, vector<1250x128xf32>
    tpu.vector_store %arg4[%swap3A, %swap3A_24], %mul3A_23 {strides = array<i32>} : memref<1250x128xf32, #tpu.memory_space<vmem>>, vector<1250x128xf32>,
    return
  }
}

module attributes {stable_mosaic.version = 14 : i64} {
  func.func @_tc3_body(%arg0: memref<2x1280x128xf32, #tpu.memory_space<vmem>>, %arg1: memref<1250x128xf32, #tpu.memory_space<vmem>>, %arg2: memref<1280x128xf32, #tpu.memory_space<vmem>>, %arg3: memref<16x40xf32, #tpu.memory_space<vmem>>, %arg4: memref<1x40xf32, #tpu.memory_space<vmem>>, %arg5: memref<10000x40xf32, #tpu.memory_space<vmem>>) attributes {dimension_semantics = [], scalar_prefetch = 0 : i64, scratch_operands = 0 : i64, tpu.core_type = #tpu.core_type<tc>} {
    %get3A = arith.constant 0 : index
    %get3A_0 = arith.constant 0 : index
    %get3A_1 = arith.constant 0 : index
    %get3A_2 = vector.load %arg0[%get3A, %get3A_0, %get3A_1] : memref<2x1280x128xf32, #tpu.memory_space<vmem>>, vector<1x1250x128xf32>
    %get3A_3 = vector.shape_cast %get3A_2 : vector<1x1250x128xf32> to vector<1250x128xf32>
    %get3A_4 = arith.constant 1 : index
    %get3A_5 = arith.constant 0 : index
    %get3A_6 = arith.constant 0 : index
    %get3A_7 = vector.load %arg0[%get3A_4, %get3A_5, %get3A_6] : memref<2x1280x128xf32, #tpu.memory_space<vmem>>, vector<1x1250x128xf32>
    %get3A_8 = vector.shape_cast %get3A_7 : vector<1x1250x128xf32> to vector<1250x128xf32>
    %add3A = arith.addf %get3A_3, %get3A_8 : vector<1250x128xf32>
    %get3A_9 = arith.constant 0 : index
    %get3A_10 = arith.constant 0 : index
    %get3A_11 = vector.load %arg1[%get3A_9, %get3A_10] : memref<1250x128xf32, #tpu.memory_space<vmem>>, vector<1250x128xf32>
    %add3A_12 = arith.addf %add3A, %get3A_11 : vector<1250x128xf32>
    %get3A_13 = arith.constant 0 : index
    %get3A_14 = arith.constant 0 : index
    %get3A_15 = vector.load %arg2[%get3A_13, %get3A_14] : memref<1280x128xf32, #tpu.memory_space<vmem>>, vector<1250x128xf32>
    %mul3A = arith.mulf %add3A_12, %get3A_15 : vector<1250x128xf32>
    %slice3A = vector.extract_strided_slice %mul3A {offsets = [0, 0], sizes = [1250, 16], strides = [1, 1]} : vector<1250x128xf32> to vector<1250x16xf32>
    %get3A_16 = arith.constant 0 : index
    %get3A_17 = arith.constant 0 : index
    %get3A_18 = vector.load %arg3[%get3A_16, %get3A_17] : memref<16x40xf32, #tpu.memory_space<vmem>>, vector<16x40xf32>
    %dot_general3A = arith.constant dense<0.000000e+00> : vector<1250x40xf32>
    %dot_general3A_19 = tpu.matmul %slice3A, %get3A_18, %dot_general3A {dimension_numbers = #tpu.dot_dimension_numbers<[1], [0], [0], [1], [0, 0, 1, 1], [], []>, transpose_lhs_hint = false} : vector<1250x16xf32>, vector<16x40xf32>, vector<1250x40xf32> -> vector<1250x40xf32>
    %get3A_20 = arith.constant 0 : index
    %get3A_21 = arith.constant 0 : index
    %get3A_22 = vector.load %arg4[%get3A_20, %get3A_21] : memref<1x40xf32, #tpu.memory_space<vmem>>, vector<1x40xf32>
    %add3A_23 = vector.broadcast %get3A_22 : vector<1x40xf32> to vector<1250x40xf32>
    %add3A_24 = arith.addf %dot_general3A_19, %add3A_23 : vector<1250x40xf32>
    %logistic3A = arith.negf %add3A_24 : vector<1250x40xf32>
    %logistic3A_25 = math.exp %logistic3A : vector<1250x40xf32>
    %logistic3A_26 = arith.constant 1.000000e+00 : f32
    %logistic3A_27 = vector.broadcast %logistic3A_26 : f32 to vector<1250x40xf32>
    %logistic3A_28 = arith.addf %logistic3A_27, %logistic3A_25 : vector<1250x40xf32>
    %logistic3A_29 = arith.divf %logistic3A_27, %logistic3A_28 : vector<1250x40xf32>
    %swap3A = arith.constant 0 : index
    %swap3A_30 = arith.constant 0 : index
    %swap3A_31 = vector.load %arg5[%swap3A, %swap3A_30] : memref<10000x40xf32, #tpu.memory_space<vmem>>, vector<1250x40xf32>
    tpu.vector_store %arg5[%swap3A, %swap3A_30], %logistic3A_29 {strides = array<i32>} : memref<10000x40xf32, #tpu.memory_space<vmem>>, vector<1250x40xf32>,
    %slice3A_32 = vector.extract_strided_slice %mul3A {offsets = [0, 16], sizes = [1250, 16], strides = [1, 1]} : vector<1250x128xf32> to vector<1250x16xf32>
    %get3A_33 = arith.constant 0 : index
    %get3A_34 = arith.constant 0 : index
    %get3A_35 = vector.load %arg3[%get3A_33, %get3A_34] : memref<16x40xf32, #tpu.memory_space<vmem>>, vector<16x40xf32>
    %dot_general3A_36 = arith.constant dense<0.000000e+00> : vector<1250x40xf32>
    %dot_general3A_37 = tpu.matmul %slice3A_32, %get3A_35, %dot_general3A_36 {dimension_numbers = #tpu.dot_dimension_numbers<[1], [0], [0], [1], [0, 0, 1, 1], [], []>, transpose_lhs_hint = false} : vector<1250x16xf32>, vector<16x40xf32>, vector<1250x40xf32> -> vector<1250x40xf32>
    %get3A_38 = arith.constant 0 : index
    %get3A_39 = arith.constant 0 : index
    %get3A_40 = vector.load %arg4[%get3A_38, %get3A_39] : memref<1x40xf32, #tpu.memory_space<vmem>>, vector<1x40xf32>
    %add3A_41 = vector.broadcast %get3A_40 : vector<1x40xf32> to vector<1250x40xf32>
    %add3A_42 = arith.addf %dot_general3A_37, %add3A_41 : vector<1250x40xf32>
    %logistic3A_43 = arith.negf %add3A_42 : vector<1250x40xf32>
    %logistic3A_44 = math.exp %logistic3A_43 : vector<1250x40xf32>
    %logistic3A_45 = arith.constant 1.000000e+00 : f32
    %logistic3A_46 = vector.broadcast %logistic3A_45 : f32 to vector<1250x40xf32>
    %logistic3A_47 = arith.addf %logistic3A_46, %logistic3A_44 : vector<1250x40xf32>
    %logistic3A_48 = arith.divf %logistic3A_46, %logistic3A_47 : vector<1250x40xf32>
    %swap3A_49 = arith.constant 1250 : index
    %swap3A_50 = arith.constant 0 : index
    %swap3A_51 = vector.load %arg5[%swap3A_49, %swap3A_50] : memref<10000x40xf32, #tpu.memory_space<vmem>>, vector<1250x40xf32>
    tpu.vector_store %arg5[%swap3A_49, %swap3A_50], %logistic3A_48 {strides = array<i32>} : memref<10000x40xf32, #tpu.memory_space<vmem>>, vector<1250x40xf32>,
    %slice3A_52 = vector.extract_strided_slice %mul3A {offsets = [0, 32], sizes = [1250, 16], strides = [1, 1]} : vector<1250x128xf32> to vector<1250x16xf32>
    %get3A_53 = arith.constant 0 : index
    %get3A_54 = arith.constant 0 : index
    %get3A_55 = vector.load %arg3[%get3A_53, %get3A_54] : memref<16x40xf32, #tpu.memory_space<vmem>>, vector<16x40xf32>
    %dot_general3A_56 = arith.constant dense<0.000000e+00> : vector<1250x40xf32>
    %dot_general3A_57 = tpu.matmul %slice3A_52, %get3A_55, %dot_general3A_56 {dimension_numbers = #tpu.dot_dimension_numbers<[1], [0], [0], [1], [0, 0, 1, 1], [], []>, transpose_lhs_hint = false} : vector<1250x16xf32>, vector<16x40xf32>, vector<1250x40xf32> -> vector<1250x40xf32>
    %get3A_58 = arith.constant 0 : index
    %get3A_59 = arith.constant 0 : index
    %get3A_60 = vector.load %arg4[%get3A_58, %get3A_59] : memref<1x40xf32, #tpu.memory_space<vmem>>, vector<1x40xf32>
    %add3A_61 = vector.broadcast %get3A_60 : vector<1x40xf32> to vector<1250x40xf32>
    %add3A_62 = arith.addf %dot_general3A_57, %add3A_61 : vector<1250x40xf32>
    %logistic3A_63 = arith.negf %add3A_62 : vector<1250x40xf32>
    %logistic3A_64 = math.exp %logistic3A_63 : vector<1250x40xf32>
    %logistic3A_65 = arith.constant 1.000000e+00 : f32
    %logistic3A_66 = vector.broadcast %logistic3A_65 : f32 to vector<1250x40xf32>
    %logistic3A_67 = arith.addf %logistic3A_66, %logistic3A_64 : vector<1250x40xf32>
    %logistic3A_68 = arith.divf %logistic3A_66, %logistic3A_67 : vector<1250x40xf32>
    %swap3A_69 = arith.constant 2500 : index
    %swap3A_70 = arith.constant 0 : index
    %swap3A_71 = vector.load %arg5[%swap3A_69, %swap3A_70] : memref<10000x40xf32, #tpu.memory_space<vmem>>, vector<1250x40xf32>
    tpu.vector_store %arg5[%swap3A_69, %swap3A_70], %logistic3A_68 {strides = array<i32>} : memref<10000x40xf32, #tpu.memory_space<vmem>>, vector<1250x40xf32>,
    %slice3A_72 = vector.extract_strided_slice %mul3A {offsets = [0, 48], sizes = [1250, 16], strides = [1, 1]} : vector<1250x128xf32> to vector<1250x16xf32>
    %get3A_73 = arith.constant 0 : index
    %get3A_74 = arith.constant 0 : index
    %get3A_75 = vector.load %arg3[%get3A_73, %get3A_74] : memref<16x40xf32, #tpu.memory_space<vmem>>, vector<16x40xf32>
    %dot_general3A_76 = arith.constant dense<0.000000e+00> : vector<1250x40xf32>
    %dot_general3A_77 = tpu.matmul %slice3A_72, %get3A_75, %dot_general3A_76 {dimension_numbers = #tpu.dot_dimension_numbers<[1], [0], [0], [1], [0, 0, 1, 1], [], []>, transpose_lhs_hint = false} : vector<1250x16xf32>, vector<16x40xf32>, vector<1250x40xf32> -> vector<1250x40xf32>
    %get3A_78 = arith.constant 0 : index
    %get3A_79 = arith.constant 0 : index
    %get3A_80 = vector.load %arg4[%get3A_78, %get3A_79] : memref<1x40xf32, #tpu.memory_space<vmem>>, vector<1x40xf32>
    %add3A_81 = vector.broadcast %get3A_80 : vector<1x40xf32> to vector<1250x40xf32>
    %add3A_82 = arith.addf %dot_general3A_77, %add3A_81 : vector<1250x40xf32>
    %logistic3A_83 = arith.negf %add3A_82 : vector<1250x40xf32>
    %logistic3A_84 = math.exp %logistic3A_83 : vector<1250x40xf32>
    %logistic3A_85 = arith.constant 1.000000e+00 : f32
    %logistic3A_86 = vector.broadcast %logistic3A_85 : f32 to vector<1250x40xf32>
    %logistic3A_87 = arith.addf %logistic3A_86, %logistic3A_84 : vector<1250x40xf32>
    %logistic3A_88 = arith.divf %logistic3A_86, %logistic3A_87 : vector<1250x40xf32>
    %swap3A_89 = arith.constant 3750 : index
    %swap3A_90 = arith.constant 0 : index
    %swap3A_91 = vector.load %arg5[%swap3A_89, %swap3A_90] : memref<10000x40xf32, #tpu.memory_space<vmem>>, vector<1250x40xf32>
    tpu.vector_store %arg5[%swap3A_89, %swap3A_90], %logistic3A_88 {strides = array<i32>} : memref<10000x40xf32, #tpu.memory_space<vmem>>, vector<1250x40xf32>,
    %slice3A_92 = vector.extract_strided_slice %mul3A {offsets = [0, 64], sizes = [1250, 16], strides = [1, 1]} : vector<1250x128xf32> to vector<1250x16xf32>
    %get3A_93 = arith.constant 0 : index
    %get3A_94 = arith.constant 0 : index
    %get3A_95 = vector.load %arg3[%get3A_93, %get3A_94] : memref<16x40xf32, #tpu.memory_space<vmem>>, vector<16x40xf32>
    %dot_general3A_96 = arith.constant dense<0.000000e+00> : vector<1250x40xf32>
    %dot_general3A_97 = tpu.matmul %slice3A_92, %get3A_95, %dot_general3A_96 {dimension_numbers = #tpu.dot_dimension_numbers<[1], [0], [0], [1], [0, 0, 1, 1], [], []>, transpose_lhs_hint = false} : vector<1250x16xf32>, vector<16x40xf32>, vector<1250x40xf32> -> vector<1250x40xf32>
    %get3A_98 = arith.constant 0 : index
    %get3A_99 = arith.constant 0 : index
    %get3A_100 = vector.load %arg4[%get3A_98, %get3A_99] : memref<1x40xf32, #tpu.memory_space<vmem>>, vector<1x40xf32>
    %add3A_101 = vector.broadcast %get3A_100 : vector<1x40xf32> to vector<1250x40xf32>
    %add3A_102 = arith.addf %dot_general3A_97, %add3A_101 : vector<1250x40xf32>
    %logistic3A_103 = arith.negf %add3A_102 : vector<1250x40xf32>
    %logistic3A_104 = math.exp %logistic3A_103 : vector<1250x40xf32>
    %logistic3A_105 = arith.constant 1.000000e+00 : f32
    %logistic3A_106 = vector.broadcast %logistic3A_105 : f32 to vector<1250x40xf32>
    %logistic3A_107 = arith.addf %logistic3A_106, %logistic3A_104 : vector<1250x40xf32>
    %logistic3A_108 = arith.divf %logistic3A_106, %logistic3A_107 : vector<1250x40xf32>
    %swap3A_109 = arith.constant 5000 : index
    %swap3A_110 = arith.constant 0 : index
    %swap3A_111 = vector.load %arg5[%swap3A_109, %swap3A_110] : memref<10000x40xf32, #tpu.memory_space<vmem>>, vector<1250x40xf32>
    tpu.vector_store %arg5[%swap3A_109, %swap3A_110], %logistic3A_108 {strides = array<i32>} : memref<10000x40xf32, #tpu.memory_space<vmem>>, vector<1250x40xf32>,
    %slice3A_112 = vector.extract_strided_slice %mul3A {offsets = [0, 80], sizes = [1250, 16], strides = [1, 1]} : vector<1250x128xf32> to vector<1250x16xf32>
    %get3A_113 = arith.constant 0 : index
    %get3A_114 = arith.constant 0 : index
    %get3A_115 = vector.load %arg3[%get3A_113, %get3A_114] : memref<16x40xf32, #tpu.memory_space<vmem>>, vector<16x40xf32>
    %dot_general3A_116 = arith.constant dense<0.000000e+00> : vector<1250x40xf32>
    %dot_general3A_117 = tpu.matmul %slice3A_112, %get3A_115, %dot_general3A_116 {dimension_numbers = #tpu.dot_dimension_numbers<[1], [0], [0], [1], [0, 0, 1, 1], [], []>, transpose_lhs_hint = false} : vector<1250x16xf32>, vector<16x40xf32>, vector<1250x40xf32> -> vector<1250x40xf32>
    %get3A_118 = arith.constant 0 : index
    %get3A_119 = arith.constant 0 : index
    %get3A_120 = vector.load %arg4[%get3A_118, %get3A_119] : memref<1x40xf32, #tpu.memory_space<vmem>>, vector<1x40xf32>
    %add3A_121 = vector.broadcast %get3A_120 : vector<1x40xf32> to vector<1250x40xf32>
    %add3A_122 = arith.addf %dot_general3A_117, %add3A_121 : vector<1250x40xf32>
    %logistic3A_123 = arith.negf %add3A_122 : vector<1250x40xf32>
    %logistic3A_124 = math.exp %logistic3A_123 : vector<1250x40xf32>
    %logistic3A_125 = arith.constant 1.000000e+00 : f32
    %logistic3A_126 = vector.broadcast %logistic3A_125 : f32 to vector<1250x40xf32>
    %logistic3A_127 = arith.addf %logistic3A_126, %logistic3A_124 : vector<1250x40xf32>
    %logistic3A_128 = arith.divf %logistic3A_126, %logistic3A_127 : vector<1250x40xf32>
    %swap3A_129 = arith.constant 6250 : index
    %swap3A_130 = arith.constant 0 : index
    %swap3A_131 = vector.load %arg5[%swap3A_129, %swap3A_130] : memref<10000x40xf32, #tpu.memory_space<vmem>>, vector<1250x40xf32>
    tpu.vector_store %arg5[%swap3A_129, %swap3A_130], %logistic3A_128 {strides = array<i32>} : memref<10000x40xf32, #tpu.memory_space<vmem>>, vector<1250x40xf32>,
    %slice3A_132 = vector.extract_strided_slice %mul3A {offsets = [0, 96], sizes = [1250, 16], strides = [1, 1]} : vector<1250x128xf32> to vector<1250x16xf32>
    %get3A_133 = arith.constant 0 : index
    %get3A_134 = arith.constant 0 : index
    %get3A_135 = vector.load %arg3[%get3A_133, %get3A_134] : memref<16x40xf32, #tpu.memory_space<vmem>>, vector<16x40xf32>
    %dot_general3A_136 = arith.constant dense<0.000000e+00> : vector<1250x40xf32>
    %dot_general3A_137 = tpu.matmul %slice3A_132, %get3A_135, %dot_general3A_136 {dimension_numbers = #tpu.dot_dimension_numbers<[1], [0], [0], [1], [0, 0, 1, 1], [], []>, transpose_lhs_hint = false} : vector<1250x16xf32>, vector<16x40xf32>, vector<1250x40xf32> -> vector<1250x40xf32>
    %get3A_138 = arith.constant 0 : index
    %get3A_139 = arith.constant 0 : index
    %get3A_140 = vector.load %arg4[%get3A_138, %get3A_139] : memref<1x40xf32, #tpu.memory_space<vmem>>, vector<1x40xf32>
    %add3A_141 = vector.broadcast %get3A_140 : vector<1x40xf32> to vector<1250x40xf32>
    %add3A_142 = arith.addf %dot_general3A_137, %add3A_141 : vector<1250x40xf32>
    %logistic3A_143 = arith.negf %add3A_142 : vector<1250x40xf32>
    %logistic3A_144 = math.exp %logistic3A_143 : vector<1250x40xf32>
    %logistic3A_145 = arith.constant 1.000000e+00 : f32
    %logistic3A_146 = vector.broadcast %logistic3A_145 : f32 to vector<1250x40xf32>
    %logistic3A_147 = arith.addf %logistic3A_146, %logistic3A_144 : vector<1250x40xf32>
    %logistic3A_148 = arith.divf %logistic3A_146, %logistic3A_147 : vector<1250x40xf32>
    %swap3A_149 = arith.constant 7500 : index
    %swap3A_150 = arith.constant 0 : index
    %swap3A_151 = vector.load %arg5[%swap3A_149, %swap3A_150] : memref<10000x40xf32, #tpu.memory_space<vmem>>, vector<1250x40xf32>
    tpu.vector_store %arg5[%swap3A_149, %swap3A_150], %logistic3A_148 {strides = array<i32>} : memref<10000x40xf32, #tpu.memory_space<vmem>>, vector<1250x40xf32>,
    %slice3A_152 = vector.extract_strided_slice %mul3A {offsets = [0, 112], sizes = [1250, 16], strides = [1, 1]} : vector<1250x128xf32> to vector<1250x16xf32>
    %get3A_153 = arith.constant 0 : index
    %get3A_154 = arith.constant 0 : index
    %get3A_155 = vector.load %arg3[%get3A_153, %get3A_154] : memref<16x40xf32, #tpu.memory_space<vmem>>, vector<16x40xf32>
    %dot_general3A_156 = arith.constant dense<0.000000e+00> : vector<1250x40xf32>
    %dot_general3A_157 = tpu.matmul %slice3A_152, %get3A_155, %dot_general3A_156 {dimension_numbers = #tpu.dot_dimension_numbers<[1], [0], [0], [1], [0, 0, 1, 1], [], []>, transpose_lhs_hint = false} : vector<1250x16xf32>, vector<16x40xf32>, vector<1250x40xf32> -> vector<1250x40xf32>
    %get3A_158 = arith.constant 0 : index
    %get3A_159 = arith.constant 0 : index
    %get3A_160 = vector.load %arg4[%get3A_158, %get3A_159] : memref<1x40xf32, #tpu.memory_space<vmem>>, vector<1x40xf32>
    %add3A_161 = vector.broadcast %get3A_160 : vector<1x40xf32> to vector<1250x40xf32>
    %add3A_162 = arith.addf %dot_general3A_157, %add3A_161 : vector<1250x40xf32>
    %logistic3A_163 = arith.negf %add3A_162 : vector<1250x40xf32>
    %logistic3A_164 = math.exp %logistic3A_163 : vector<1250x40xf32>
    %logistic3A_165 = arith.constant 1.000000e+00 : f32
    %logistic3A_166 = vector.broadcast %logistic3A_165 : f32 to vector<1250x40xf32>
    %logistic3A_167 = arith.addf %logistic3A_166, %logistic3A_164 : vector<1250x40xf32>
    %logistic3A_168 = arith.divf %logistic3A_166, %logistic3A_167 : vector<1250x40xf32>
    %swap3A_169 = arith.constant 8750 : index
    %swap3A_170 = arith.constant 0 : index
    %swap3A_171 = vector.load %arg5[%swap3A_169, %swap3A_170] : memref<10000x40xf32, #tpu.memory_space<vmem>>, vector<1250x40xf32>
    tpu.vector_store %arg5[%swap3A_169, %swap3A_170], %logistic3A_168 {strides = array<i32>} : memref<10000x40xf32, #tpu.memory_space<vmem>>, vector<1250x40xf32>,
    return
  }
}

</mosaic_0001>

<sc_bundles>
// kernel: kernel.12.cloned.1.call-start
scs
__scs_entry_jumppad:
0x0: {  	(pc) =	sbr.rel $0x88, $3  }
0x1: {  	(tag) =	ssettag $0x0;
	lr =	simm.s32 $0x1  }
0x2: {  	[smem:$0x3F9B] =	sst lr;
	_ =	strace $0xD0000000  }
0x3: {  	_ = 	snop  }
0x4: {  	_ = 	snop  }
0x5: {  	_ = 	snop  }
0x6: {  	_ = 	snop  }
0x7: {  	_ = 	snop  }
__scs_overlays_trampoline_lowered:
0x8: {  	[smem:$0x3FAA] =	sst s0  }
0x9: {  	[smem:$0x3FAB] =	sst s1  }
0xa: {  	[smem:$0x3FAC] =	sst s2  }
0xb: {  	[smem:$0x3FAD] =	sst s3  }
0xc: {  	[smem:$0x3FAE] =	sst s4  }
0xd: {  	[smem:$0x3FAF] =	sst s5  }
0xe: {  	[smem:$0x3FB0] =	sst s6  }
0xf: {  	[smem:$0x3FB1] =	sst s7  }
0x10: {  	[smem:$0x3FB2] =	sst s8  }
0x11: {  	[smem:$0x3FB3] =	sst s9;
	s0 =	simm.s32 @!p0 $0x0  }
0x12: {  	s1 =	sld [smem:$0x3F99];
	s0 =	simm.s32 @p0 $0x1  }
0x13: {  	[smem:$0x3FB4] =	sst s0;
	s0 =	simm.s32 @!p1 $0x0  }
0x14: {  	s2 =	sld [smem:$0x3F98];
	s0 =	simm.s32 @p1 $0x1  }
0x15: {  	[smem:$0x3FB5] =	sst s0;
	s0 =	simm.s32 @!p2 $0x0  }
0x16: {  	s3 =	sld [smem:$0x3FDB];
	s0 =	simm.s32 @p2 $0x1  }
0x17: {  	s4 =	simm.s32 $0x1BF5;
	[smem:$0x3FB7] =	sst s0  }
0x18: {  	s0 =	sld [smem:$0x3F9A];
	_ =	swait.ge [sflag:s4], $0x0  }
0x19: {  	s7 =	sld [smem:$0x3F9B]  }
0x1a: {  	s8 =	sadd.s32 $0xFFFFE003, lr  }
0x1b: {  	s9 =	sadd.s32 $0xFFFFFEF7, lr;
	s5 =	simm.s32 $0xFFFFFFFF;
	p2 =	slt.u32 s8, $0xFFFFF086  }
0x1c: {  	p1 =	slt.u32 s9, $0xF7A;
	s5 =	simm.s32 @!p2 $0x0  }
0x1d: {  	s5 =	simm.s32 @p1 $0x1;
	p0 =	seq.s32 s7, s2  }
0x1e: {  	s7 =	smul.u32 @!p0 $0xF7A, s2;
	p2 =	seq.s32 @!p0 s5, $0x0  }
0x1f: {  	s9 =	smul.u32 $0xF7A, s1;
	s8 =	simm.s32 @!p0 $0x1BF5;
	p2 =	por !p2, p0  }
0x20: {  	[sflag:s8] =	ssyncset.s32 @!p0 $0xFFFFF086;
	s6 =	sadd.s32 @!p0 s3, s7;
	s7 =	simm.s32 @!p0 $0x108  }
0x21: {  	s3 =	sadd.s32 s3, s9;
	s6 =	sadd.s32 @!p0 $0x88, s6;
	s7 =	simm.s32 @p2 $0x1082  }
0x22: {  	[simem:s7], [sflag:s8] =	dma.local @!p0 [hbm:s6], $0xF7A  }
0x23: {  	s9 =	sor.u32 $0xD0000000, s2;
	s6 =	simm.s32 $0x108;
	_ =	swait.ge @!p0 [sflag:s8], $0x0  }
0x24: {  	s3 =	sadd.s32 $0x88, s3;
	s6 =	simm.s32 @!p1 $0x1082;
	[sflag:s4] =	ssyncset.s32 $0xFFFFF086  }
0x25: {  	[simem:s6], [sflag:s4] =	dma.local [hbm:s3], $0xF7A  }
0x26: {  	[smem:$0x3F9B] =	sst s1;
	(tag) =	ssettag s2;
	_ =	strace s9  }
0x27: {  	s1 =	sld [smem:$0x3FAB]  }
0x28: {  	s2 =	sld [smem:$0x3FAC]  }
0x29: {  	s4 =	sld [smem:$0x3FAE]  }
0x2a: {  	p0 =	seq.s32 s5, $0x0;
	s5 =	sld [smem:$0x3FAF]  }
0x2b: {  	s6 =	sld [smem:$0x3FB0]  }
0x2c: {  	s7 =	sld [smem:$0x3FB1]  }
0x2d: {  	s3 =	simm.s32 $0x108;
	s8 =	sld [smem:$0x3FB2]  }
0x2e: {  	s3 =	simm.s32 @!p0 $0x1082;
	s9 =	sld [smem:$0x3FB3]  }
0x2f: {  	lr =	sadd.s32 s0, s3;
	s0 =	sld [smem:$0x3FAA]  }
0x30: {  	s3 =	sld [smem:$0x3FAD]  }
0x31: {  	[smem:$0x3FB6] =	sst s10  }
0x32: {  	s10 =	sld [smem:$0x3FB4];
	_ =	sdelay $0x3  }
0x33: {  	p0 =	seq.s32 s10, $0x1;
	s10 =	sld [smem:$0x3FB6];
	_ =	sdelay $0x3  }
0x34: {  	[smem:$0x3FB6] =	sst s10  }
0x35: {  	s10 =	sld [smem:$0x3FB5];
	_ =	sdelay $0x3  }
0x36: {  	p1 =	seq.s32 s10, $0x1;
	s10 =	sld [smem:$0x3FB6];
	_ =	sdelay $0x3  }
0x37: {  	[smem:$0x3FB6] =	sst s10  }
0x38: {  	s10 =	sld [smem:$0x3FB7]  }
0x39: {  	_ = 	snop;
	(pc) =	sbr.ind lr, $3  }
0x3a: {  	_ = 	snop  }
0x3b: {  	_ = 	snop  }
0x3c: {  	p2 =	seq.s32 s10, $0x1;
	s10 =	sld [smem:$0x3FB6]  }
0x3d: {  	_ =	shalt  }
0x3e: {  	_ =	shalt  }
0x3f: {  	_ =	shalt  }
0x40: {  	_ =	shalt  }
0x41: {  	_ =	shalt  }
0x42: {  	_ =	shalt  }
0x43: {  	_ =	shalt  }
0x44: {  	_ =	shalt  }
0x45: {  	_ =	shalt  }
0x46: {  	_ =	shalt  }
0x47: {  	_ =	shalt  }
0x48: {  	_ =	shalt  }
0x49: {  	_ =	shalt  }
0x4a: {  	_ =	shalt  }
0x4b: {  	_ =	shalt  }
0x4c: {  	_ =	shalt  }
0x4d: {  	_ =	shalt  }
0x4e: {  	_ =	shalt  }
0x4f: {  	_ =	shalt  }
0x50: {  	_ =	shalt  }
0x51: {  	_ =	shalt  }
0x52: {  	_ =	shalt  }
0x53: {  	_ =	shalt  }
0x54: {  	_ =	shalt  }
0x55: {  	_ =	shalt  }
0x56: {  	_ =	shalt  }
0x57: {  	_ =	shalt  }
0x58: {  	_ =	shalt  }
0x59: {  	_ =	shalt  }
0x5a: {  	_ =	shalt  }
0x5b: {  	_ =	shalt  }
0x5c: {  	_ =	shalt  }
0x5d: {  	_ =	shalt  }
0x5e: {  	_ =	shalt  }
0x5f: {  	_ =	shalt  }
0x60: {  	_ =	shalt  }
0x61: {  	_ =	shalt  }
0x62: {  	_ =	shalt  }
0x63: {  	_ =	shalt  }
0x64: {  	_ =	shalt  }
0x65: {  	_ =	shalt  }
0x66: {  	_ =	shalt  }
0x67: {  	_ =	shalt  }
0x68: {  	_ =	shalt  }
0x69: {  	_ =	shalt  }
0x6a: {  	_ =	shalt  }
0x6b: {  	_ =	shalt  }
0x6c: {  	_ =	shalt  }
0x6d: {  	_ =	shalt  }
0x6e: {  	_ =	shalt  }
0x6f: {  	_ =	shalt  }
0x70: {  	_ =	shalt  }
0x71: {  	_ =	shalt  }
0x72: {  	_ =	shalt  }
0x73: {  	_ =	shalt  }
0x74: {  	_ =	shalt  }
0x75: {  	_ =	shalt  }
0x76: {  	_ =	shalt  }
0x77: {  	_ =	shalt  }
0x78: {  	_ =	shalt  }
0x79: {  	_ =	shalt  }
0x7a: {  	_ =	shalt  }
0x7b: {  	_ =	shalt  }
0x7c: {  	_ =	shalt  }
0x7d: {  	_ =	shalt  }
0x7e: {  	_ =	shalt  }
0x7f: {  	_ =	shalt  }
0x80: {  	_ =	shalt  }
0x81: {  	_ =	shalt  }
0x82: {  	_ =	shalt  }
0x83: {  	_ =	shalt  }
0x84: {  	_ =	shalt  }
0x85: {  	_ =	shalt  }
0x86: {  	_ =	shalt  }
0x87: {  	_ =	shalt  }
.Lfunc_end0:
.L_simem_size_0:
called_computation.1_lowered:
.L_overlay_start_0:
0x88: {  	s2 =	sld [smem:$0x3FD9]  }
0x89: {  	s3 =	sld [smem:$0x3FFE];
	_ =	sdelay $0x1  }
0x8a: {  	s1 =	srdreg.scid  }
0x8b: {  	s0 =	sand.u32 $0x1, s1  }
0x8c: {  	s17 =	sshll.u32 s0, $0xA;
	s2 =	sadd.s32 s3, s2  }
0x8d: {  	s2 =	sadd.s32 s2, s17  }
0x8e: {  	[smem:$0x3FC2] =	sst s2  }
0x8f: {  	_ = 	snop  }
0x90: {  	s2 =	sld [smem:$0x3FD0];
	(tm) =	ssettm $0x1  }
0x91: {  	s18 =	sld [smem:$0x3FFB];
	_ =	sdelay $0x3  }
0x92: {  	_ =	strace s18  }
0x93: {  	s3 =	sld [smem:$0x3FFC];
	_ =	sdelay $0x3  }
0x94: {  	_ =	strace s3  }
0x95: {  	s3 =	sld [smem:$0x3FFD];
	_ =	sdelay $0x3  }
0x96: {  	_ =	strace s3  }
0x97: {  	_ =	strace $0x8FFFFFFF  }
0x98: {  	s19 =	sld [smem:$0x3FDB];
	_ =	sdelay $0x1  }
0x99: {  	s4 =	simm.s32 $_scs_section_size  }
0x9a: {  	s5 =	simm.s32 $_size__tile_overlayer_lowered;
	s6 =	simm.s32 $_tile_overlayer_lowered  }
0x9b: {  	s22 =	simm.s32 $0x1BFF;
	s21 =	sshll.u32 s6, $0x1;
	s3 =	sadd.s32 s4, s19  }
0x9c: {  	s7 =	simm.s32 $0x0;
	s20 =	sshll.u32 s5, $0x1;
	s5 =	sadd.s32 s21, s3  }
0x9d: {  	[timem:s7], [sflag:s22] =	dma.local [hbm:s5], s20  }
0x9e: {  	_ =	swait.ge [sflag:s22], s20  }
0x9f: {  	s4 =	ssub.s32 $0x0, s20;
	[sflag:s22] =	ssyncset.done $0x0  }
0xa0: {  	[sflag:s22] =	ssyncadd.s32 s4;
	_ =	sdelay $0x1  }
0xa1: {  	s23 =	simm.s32 $0x1B8B  }
0xa2: {  	_ =	swait.ge [sflag:s23], $0x1  }
0xa3: {  	[sflag:s23] =	ssyncset.done $0x0  }
0xa4: {  	s25 =	simm.s32 $0x1B8E;
	s24 =	sld [smem:$0x3FFE];
	[sflag:s23] =	ssyncadd.s32 $0xFFFFFFFF  }
0xa5: {  	s26 =	simm.s32 $execute0_lowered;
	[smem:$0x3FD2] =	sst s25  }
0xa6: {  	s5 =	sshll.u32 s26, $0x1;
	_ =	strace $0x80000049;
	[dreg:$0x1] =	wrdreg $0xFFFFFFFF  }
0xa7: {  	s28 =	simm.s32 $_size_execute0_lowered;
	s3 =	sadd.s32 s3, s5;
	[dreg:$0x0] =	wrdreg $0x0  }
0xa8: {  	s5 =	sshll.u32 s28, $0x1;
	[dreg:$0x2] =	wrdreg s3  }
0xa9: {  	[dreg:$0x3] =	wrdreg s5  }
0xaa: {  	[dreg:$0x4] =	wrdreg $0xC0  }
0xab: {  	_ =	task [dreg:s7], $0x5FFFF  }
0xac: {  	[dreg:$0x1] =	wrdreg $0xFFFFFFFF  }
0xad: {  	[dreg:$0x0] =	wrdreg $0x60  }
0xae: {  	[dreg:$0x2] =	wrdreg s24  }
0xaf: {  	[dreg:$0x3] =	wrdreg s2  }
0xb0: {  	[dreg:$0x4] =	wrdreg $0x160800  }
0xb1: {  	[dreg:$0x5] =	wrdreg $0x9  }
0xb2: {  	_ =	task.clear_ibuf [dreg:s7], $0x6FFFF;
	_ =	strace $0x90000049  }
0xb3: {  	s29 =	simm.s32 $0x9;
	_ =	strace $0x8000004B  }
0xb4: {  	_ =	swait.ge [sflag:s29], $0x1  }
0xb5: {  	[sflag:s29] =	ssyncadd.s32 $0xFFFFFFFF  }
0xb6: {  	_ =	strace $0x9000004B  }
0xb7: {  	_ =	sfence  }
0xb8: {  	s30 =	sld [smem:$0x0];
	_ =	sdelay $0x2  }
0xb9: {  	s31 =	sshll.u32 s1, $0xD;
	s1 =	sshrl.u32 s1, $0x2  }
0xba: {  	s3 =	sand.u32 $0x4000, s31;
	s1 =	sadd.s32 s1, s30  }
0xbb: {  	s0 =	sor.u32 s3, s0;
	s1 =	sshll.u32 s1, $0x11  }
0xbc: {  	s0 =	sor.u32 s1, s0  }
0xbd: {  	s0 =	sadd.s32 $0x8F2B, s0  }
0xbe: {  	[sflag:s0] =	ssyncadd.remote.s32 $0x1  }
0xbf: {  	_ =	sfence.sel $0xFFFF  }
0xc0: {  	[dreg:$0x0] =	wrdreg $0xFFFFFFFF;
	(pc) =	sbr.abs _section_cstart, $3  }
0xc1: {  	[dreg:$0x1] =	wrdreg $0xFFFFFFFF  }
0xc2: {  	_ =	task.clear_ibuf [dreg:s7], $0x2FFFF;
	_ =	strace $0x9FFFFFFF  }
0xc3: {  	(tm) =	ssettm $0x7FFFFFFF  }
tec
execute0_lowered:
.L_overlay_start_1:
0x0: {  	(tag) =	ssettag $0x1  }
0x1: {  	s5 =	rddreg [dreg:$0x0]  }
0x2: {  	s0 =	srdreg.scid;
	s9 =	rddreg [dreg:$0x1]  }
0x3: {  	s2 =	rddreg [dreg:$0x2];
	s3 =	simm.s32 $0x0;
	s13 =	simm.s32 $0x1400  }
0x4: {  	s14 =	simm.s32 $0x7D;
	s15 =	simm.s32 $0x1;
	s16 =	simm.s32 $0x2  }
0x5: {  	s17 =	simm.s32 $0x0;
	s6 =	sand.u32 $0x1, s0;
	s0 =	stileid.u32  }
0x6: {  	[smem:$0x7FF] =	sst s3;
	s1 =	sshll.u32 s6, $0x4;
	s7 =	smul.u32 $0x2800, s0  }
0x7: {  	s11 =	ssub.s32 $0x2, s6;
	s12 =	smul.u32 $0x28000, s6;
	s31 =	sshll.u32 s0, $0x6  }
0x8: {  	s4 =	sor.u32 s0, s1;
	s1 =	rddreg [dreg:$0x3];
	_ =	strace $0x8000004A  }
0x9: {  	s29 =	sshrl.u32 s11, $0x1;
	s6 =	sor.u32 $0x1C03, s31;
	s4 =	smul.u32 $0x280, s4  }
0xa: {  	s10 =	sshrl.u32 s7, $0x3;
	s30 =	sadd.s32 s7, s2;
	s12 =	sadd.s32 s7, s12  }
0xb: {  	s12 =	sshrl.u32 s12, $0x3;
	s8 =	sadd.s32 s4, s5;
	s4 =	sadd.s32 $0x11000, s5  }
0xc: {  	s5 =	sadd.s32 s10, s5;
	s10 =	ssub.s32 s11, s29;
	s9 =	sadd.s32 s9, s12  }
0xd: {  	s11 =	sshrl.u32 s30, $0x3;
	s12 =	simm.s32 $0x3;
	s5 =	sadd.s32 $0x7000, s5  }
0xe: {  	s7 =	sadd.s32 $0xC000, s8;
	s8 =	sadd.s32 $0x1E00, s8;
	s10 =	smax.u32 s10, $0x1  }
.LBB2_1:
0xf: {  	[spmem:s11], [sflag:s6] =	dma.local [hbm:s5], $0x500  }
0x10: {  	_ =	swait.ge [sflag:s12], $0x500  }
0x11: {  	[sflag:s12] =	ssyncset.done $0x0  }
0x12: {  	[sflag:s12] =	ssyncadd.s32 $0xFFFFFB00  }
0x13: {  	[tilespmem:s3], [sflag:$0x3] =	stream.linear.gather [hbm4b:s7+s3], $0x1400, $0x38;
	[tilespmem:$0x18880] =	vst v63  }
0x14: {  	_ =	swait.ge [sflag:s12], $0x1400  }
0x15: {  	[sflag:s12] =	ssyncset.done $0x0  }
0x16: {  	[sflag:s12] =	ssyncadd.s32 $0xFFFFEC00  }
0x17: {  	[tilespmem:s13], [sflag:$0x3] =	stream.linear.gather [hbm4b:s8+s3], $0x1400, $0x38;
	[tilespmem:$0x18880] =	vst v63  }
0x18: {  	_ =	swait.ge [sflag:s12], $0x1400  }
0x19: {  	[sflag:s12] =	ssyncset.done $0x0  }
0x1a: {  	s18 =	simm.s32 $0x2800;
	[sflag:s12] =	ssyncadd.s32 $0xFFFFEC00  }
0x1b: {  	s19 =	simm.s32 $0x2800;
	s20 =	simm.s32 $0x0;
	[bflag:$0x0] =	sbarrier.arrive $0xFFFF  }
.LBB2_2:
0x1c: {  	p0 =	sne.s32 s20, $0x4E00  }
.Ltmp0:
0x1d: {  	_ = 	snop;
	(pc) =	sbr.rel @p0 .LBB2_2-.Ltmp0, $4  }
0x1e: {  	_ = 	snop  }
0x1f: {  	s21 =	sshra.s32 s20, $0x2  }
0x20: {  	[tilespmem:s19], [sflag:$0x1] =	stream.indirect.gather [hbm4b:s4+s14], $0x10, s21, s14, $0xb8;
	[tilespmem:$0x18880] =	vst v63  }
0x21: {  	s20 =	sadd.s32 $0x200, s20;
	s19 =	sadd.s32 $0x7D0, s19  }
0x22: {  	_ =	swait.ge [sflag:s15], $0x7D0  }
0x23: {  	[sflag:s15] =	ssyncset.done $0x0  }
0x24: {  	s19 =	simm.s32 $0x1400;
	[sflag:s15] =	ssyncadd.s32 $0xFFFFF830  }
0x25: {  	[spmem:s2] =	stream.indirect.scatter.add.f32 [tilespmem:s18], [sflag:$0x2], $0x10, s19, s14, $0xb8;
	[tilespmem:$0x18880] =	vst v63  }
0x26: {  	s19 =	simm.s32 $0x200  }
.LBB2_4:
0x27: {  	_ =	swait.ge [sflag:s15], $0x7D0;
	p0 =	sne.s32 s19, $0x4E00  }
.Ltmp1:
0x28: {  	(pc) =	sbr.rel @p0 .LBB2_4-.Ltmp1, $4  }
0x29: {  	s20 =	sshra.s32 s19, $0x2  }
0x2a: {  	s19 =	sadd.s32 $0x200, s19;
	[sflag:s15] =	ssyncset.done $0x0  }
0x2b: {  	s18 =	sadd.s32 $0x7D0, s18;
	s20 =	sadd.s32 $0x1400, s20;
	[sflag:s15] =	ssyncadd.s32 $0xFFFFF830  }
0x2c: {  	[spmem:s2] =	stream.indirect.scatter.add.f32 [tilespmem:s18], [sflag:$0x2], $0x10, s20, s14, $0xb8;
	[tilespmem:$0x18880] =	vst v63  }
0x2d: {  	_ =	swait.ge [sflag:s16], $0x7D0  }
0x2e: {  	s18 =	simm.s32 $0x27;
	[sflag:s16] =	ssyncset.done $0x0  }
.LBB2_6:
0x2f: {  	p0 =	sne.s32 s18, $0x1;
	s18 =	sadd.s32 $0xFFFFFFFF, s18;
	[sflag:s16] =	ssyncadd.s32 $0xFFFFF830  }
.Ltmp2:
0x30: {  	(pc) =	sbr.rel @p0 .LBB2_6-.Ltmp2, $3  }
0x31: {  	_ =	sdelay $0x1  }
0x32: {  	_ =	swait.ge [sflag:s16], $0x7D0  }
0x33: {  	[sflag:s16] =	ssyncset.done $0x0  }
0x34: {  	s17 =	sadd.s32 $0x1, s17  }
0x35: {  	[sflag:s16] =	ssyncadd.s32 $0xFFFFF830;
	p0 =	sne.s32 s17, s10  }
.Ltmp3:
0x36: {  	[bflag:$0x0] =	sbarrier.arrive $0xFFFF;
	(pc) =	sbr.rel @p0 .LBB2_1-.Ltmp3, $4  }
0x37: {  	[hbm:s9], [sflag:s6] =	dma.local [spmem:s11], $0x500  }
0x38: {  	_ =	swait.ge [sflag:s12], $0x500  }
0x39: {  	[sflag:s12] =	ssyncset.done $0x0  }
0x3a: {  	[sflag:s12] =	ssyncadd.s32 $0xFFFFFB00  }
0x3b: {  	_ =	sfence.sel $0x180000  }
0x3c: {  	[bflag:$0x0] =	sbarrier.arrive $0xFFFF  }
0x3d: {  	p0 =	sne.s32 s0, $0x0;
	_ =	strace $0x9000004A  }
0x3e: {  	s0 =	sadd.s32 @!p0 $0x100000, s1;
	[bflag:$0x2] =	sbarrier.arrive $0xFFFF  }
0x3f: {  	[sflag:s0] =	ssyncadd.tile.s32 @!p0 $0x1;
	_ =	shalt  }
.Lfunc_end2:
_tile_overlayer_lowered:
.L_overlay_start_2:
0x40: {  	(tag) =	ssettag $0x2  }
0x41: {  	s0 =	rddreg [dreg:$0x0];
	s2 =	stileid.u32  }
0x42: {  	s1 =	rddreg [dreg:$0x1];
	p0 =	sne.s32 s2, $0x0  }
0x43: {  	s3 =	rddreg [dreg:$0x2];
	[bflag:$0x3] =	sbarrier.arrive $0xFFFF;
	s2 =	simm.s32 @!p0 $0x1C03  }
0x44: {  	[timem:s3], [sflag:s2] =	dma.local @!p0 [hbm:s0], s1  }
0x45: {  	s0 =	simm.s32 @!p0 $0x3  }
0x46: {  	_ =	swait.ge @!p0 [sflag:s0], s1  }
0x47: {  	s1 =	ssub.s32 @!p0 $0x0, s1;
	[sflag:s0] =	ssyncset.done @!p0 $0x0  }
0x48: {  	[sflag:s0] =	ssyncadd.s32 @!p0 s1  }
0x49: {  	[bflag:$0x3] =	sbarrier.arrive $0xFFFF  }
0x4a: {  	_ =	shalt  }

// kernel: kernel.15.cloned.1.call-start
scs
__scs_entry_jumppad:
0x0: {  	(pc) =	sbr.rel $0x88, $3  }
0x1: {  	(tag) =	ssettag $0x0;
	lr =	simm.s32 $0x1  }
0x2: {  	[smem:$0x3F9B] =	sst lr;
	_ =	strace $0xD0000000  }
0x3: {  	_ = 	snop  }
0x4: {  	_ = 	snop  }
0x5: {  	_ = 	snop  }
0x6: {  	_ = 	snop  }
0x7: {  	_ = 	snop  }
__scs_overlays_trampoline_lowered:
0x8: {  	[smem:$0x3FAA] =	sst s0  }
0x9: {  	[smem:$0x3FAB] =	sst s1  }
0xa: {  	[smem:$0x3FAC] =	sst s2  }
0xb: {  	[smem:$0x3FAD] =	sst s3  }
0xc: {  	[smem:$0x3FAE] =	sst s4  }
0xd: {  	[smem:$0x3FAF] =	sst s5  }
0xe: {  	[smem:$0x3FB0] =	sst s6  }
0xf: {  	[smem:$0x3FB1] =	sst s7  }
0x10: {  	[smem:$0x3FB2] =	sst s8  }
0x11: {  	[smem:$0x3FB3] =	sst s9;
	s0 =	simm.s32 @!p0 $0x0  }
0x12: {  	s1 =	sld [smem:$0x3F99];
	s0 =	simm.s32 @p0 $0x1  }
0x13: {  	[smem:$0x3FB4] =	sst s0;
	s0 =	simm.s32 @!p1 $0x0  }
0x14: {  	s2 =	sld [smem:$0x3F98];
	s0 =	simm.s32 @p1 $0x1  }
0x15: {  	[smem:$0x3FB5] =	sst s0;
	s0 =	simm.s32 @!p2 $0x0  }
0x16: {  	s3 =	sld [smem:$0x3FDB];
	s0 =	simm.s32 @p2 $0x1  }
0x17: {  	s4 =	simm.s32 $0x1BF5;
	[smem:$0x3FB7] =	sst s0  }
0x18: {  	s0 =	sld [smem:$0x3F9A];
	_ =	swait.ge [sflag:s4], $0x0  }
0x19: {  	s7 =	sld [smem:$0x3F9B]  }
0x1a: {  	s8 =	sadd.s32 $0xFFFFE003, lr  }
0x1b: {  	s9 =	sadd.s32 $0xFFFFFEF7, lr;
	s5 =	simm.s32 $0xFFFFFFFF;
	p2 =	slt.u32 s8, $0xFFFFF086  }
0x1c: {  	p1 =	slt.u32 s9, $0xF7A;
	s5 =	simm.s32 @!p2 $0x0  }
0x1d: {  	s5 =	simm.s32 @p1 $0x1;
	p0 =	seq.s32 s7, s2  }
0x1e: {  	s7 =	smul.u32 @!p0 $0xF7A, s2;
	p2 =	seq.s32 @!p0 s5, $0x0  }
0x1f: {  	s9 =	smul.u32 $0xF7A, s1;
	s8 =	simm.s32 @!p0 $0x1BF5;
	p2 =	por !p2, p0  }
0x20: {  	[sflag:s8] =	ssyncset.s32 @!p0 $0xFFFFF086;
	s6 =	sadd.s32 @!p0 s3, s7;
	s7 =	simm.s32 @!p0 $0x108  }
0x21: {  	s3 =	sadd.s32 s3, s9;
	s6 =	sadd.s32 @!p0 $0x88, s6;
	s7 =	simm.s32 @p2 $0x1082  }
0x22: {  	[simem:s7], [sflag:s8] =	dma.local @!p0 [hbm:s6], $0xF7A  }
0x23: {  	s9 =	sor.u32 $0xD0000000, s2;
	s6 =	simm.s32 $0x108;
	_ =	swait.ge @!p0 [sflag:s8], $0x0  }
0x24: {  	s3 =	sadd.s32 $0x88, s3;
	s6 =	simm.s32 @!p1 $0x1082;
	[sflag:s4] =	ssyncset.s32 $0xFFFFF086  }
0x25: {  	[simem:s6], [sflag:s4] =	dma.local [hbm:s3], $0xF7A  }
0x26: {  	[smem:$0x3F9B] =	sst s1;
	(tag) =	ssettag s2;
	_ =	strace s9  }
0x27: {  	s1 =	sld [smem:$0x3FAB]  }
0x28: {  	s2 =	sld [smem:$0x3FAC]  }
0x29: {  	s4 =	sld [smem:$0x3FAE]  }
0x2a: {  	p0 =	seq.s32 s5, $0x0;
	s5 =	sld [smem:$0x3FAF]  }
0x2b: {  	s6 =	sld [smem:$0x3FB0]  }
0x2c: {  	s7 =	sld [smem:$0x3FB1]  }
0x2d: {  	s3 =	simm.s32 $0x108;
	s8 =	sld [smem:$0x3FB2]  }
0x2e: {  	s3 =	simm.s32 @!p0 $0x1082;
	s9 =	sld [smem:$0x3FB3]  }
0x2f: {  	lr =	sadd.s32 s0, s3;
	s0 =	sld [smem:$0x3FAA]  }
0x30: {  	s3 =	sld [smem:$0x3FAD]  }
0x31: {  	[smem:$0x3FB6] =	sst s10  }
0x32: {  	s10 =	sld [smem:$0x3FB4];
	_ =	sdelay $0x3  }
0x33: {  	p0 =	seq.s32 s10, $0x1;
	s10 =	sld [smem:$0x3FB6];
	_ =	sdelay $0x3  }
0x34: {  	[smem:$0x3FB6] =	sst s10  }
0x35: {  	s10 =	sld [smem:$0x3FB5];
	_ =	sdelay $0x3  }
0x36: {  	p1 =	seq.s32 s10, $0x1;
	s10 =	sld [smem:$0x3FB6];
	_ =	sdelay $0x3  }
0x37: {  	[smem:$0x3FB6] =	sst s10  }
0x38: {  	s10 =	sld [smem:$0x3FB7]  }
0x39: {  	_ = 	snop;
	(pc) =	sbr.ind lr, $3  }
0x3a: {  	_ = 	snop  }
0x3b: {  	_ = 	snop  }
0x3c: {  	p2 =	seq.s32 s10, $0x1;
	s10 =	sld [smem:$0x3FB6]  }
0x3d: {  	_ =	shalt  }
0x3e: {  	_ =	shalt  }
0x3f: {  	_ =	shalt  }
0x40: {  	_ =	shalt  }
0x41: {  	_ =	shalt  }
0x42: {  	_ =	shalt  }
0x43: {  	_ =	shalt  }
0x44: {  	_ =	shalt  }
0x45: {  	_ =	shalt  }
0x46: {  	_ =	shalt  }
0x47: {  	_ =	shalt  }
0x48: {  	_ =	shalt  }
0x49: {  	_ =	shalt  }
0x4a: {  	_ =	shalt  }
0x4b: {  	_ =	shalt  }
0x4c: {  	_ =	shalt  }
0x4d: {  	_ =	shalt  }
0x4e: {  	_ =	shalt  }
0x4f: {  	_ =	shalt  }
0x50: {  	_ =	shalt  }
0x51: {  	_ =	shalt  }
0x52: {  	_ =	shalt  }
0x53: {  	_ =	shalt  }
0x54: {  	_ =	shalt  }
0x55: {  	_ =	shalt  }
0x56: {  	_ =	shalt  }
0x57: {  	_ =	shalt  }
0x58: {  	_ =	shalt  }
0x59: {  	_ =	shalt  }
0x5a: {  	_ =	shalt  }
0x5b: {  	_ =	shalt  }
0x5c: {  	_ =	shalt  }
0x5d: {  	_ =	shalt  }
0x5e: {  	_ =	shalt  }
0x5f: {  	_ =	shalt  }
0x60: {  	_ =	shalt  }
0x61: {  	_ =	shalt  }
0x62: {  	_ =	shalt  }
0x63: {  	_ =	shalt  }
0x64: {  	_ =	shalt  }
0x65: {  	_ =	shalt  }
0x66: {  	_ =	shalt  }
0x67: {  	_ =	shalt  }
0x68: {  	_ =	shalt  }
0x69: {  	_ =	shalt  }
0x6a: {  	_ =	shalt  }
0x6b: {  	_ =	shalt  }
0x6c: {  	_ =	shalt  }
0x6d: {  	_ =	shalt  }
0x6e: {  	_ =	shalt  }
0x6f: {  	_ =	shalt  }
0x70: {  	_ =	shalt  }
0x71: {  	_ =	shalt  }
0x72: {  	_ =	shalt  }
0x73: {  	_ =	shalt  }
0x74: {  	_ =	shalt  }
0x75: {  	_ =	shalt  }
0x76: {  	_ =	shalt  }
0x77: {  	_ =	shalt  }
0x78: {  	_ =	shalt  }
0x79: {  	_ =	shalt  }
0x7a: {  	_ =	shalt  }
0x7b: {  	_ =	shalt  }
0x7c: {  	_ =	shalt  }
0x7d: {  	_ =	shalt  }
0x7e: {  	_ =	shalt  }
0x7f: {  	_ =	shalt  }
0x80: {  	_ =	shalt  }
0x81: {  	_ =	shalt  }
0x82: {  	_ =	shalt  }
0x83: {  	_ =	shalt  }
0x84: {  	_ =	shalt  }
0x85: {  	_ =	shalt  }
0x86: {  	_ =	shalt  }
0x87: {  	_ =	shalt  }
.Lfunc_end0:
.L_simem_size_0:
called_computation.2_lowered:
.L_overlay_start_0:
0x88: {  	s2 =	sld [smem:$0x3FD9]  }
0x89: {  	s3 =	sld [smem:$0x3FFE];
	_ =	sdelay $0x1  }
0x8a: {  	s1 =	srdreg.scid  }
0x8b: {  	s0 =	sand.u32 $0x1, s1  }
0x8c: {  	s17 =	sshll.u32 s0, $0xA;
	s2 =	sadd.s32 s3, s2  }
0x8d: {  	s2 =	sadd.s32 s2, s17  }
0x8e: {  	[smem:$0x3FC2] =	sst s2  }
0x8f: {  	_ = 	snop  }
0x90: {  	s2 =	sld [smem:$0x3FD0];
	(tm) =	ssettm $0x1  }
0x91: {  	s18 =	sld [smem:$0x3FFB];
	_ =	sdelay $0x3  }
0x92: {  	_ =	strace s18  }
0x93: {  	s3 =	sld [smem:$0x3FFC];
	_ =	sdelay $0x3  }
0x94: {  	_ =	strace s3  }
0x95: {  	s3 =	sld [smem:$0x3FFD];
	_ =	sdelay $0x3  }
0x96: {  	_ =	strace s3  }
0x97: {  	_ =	strace $0x8FFFFFFF  }
0x98: {  	s19 =	sld [smem:$0x3FDB];
	_ =	sdelay $0x1  }
0x99: {  	s4 =	simm.s32 $_scs_section_size  }
0x9a: {  	s5 =	simm.s32 $_size__tile_overlayer_lowered;
	s6 =	simm.s32 $_tile_overlayer_lowered  }
0x9b: {  	s22 =	simm.s32 $0x1BFF;
	s21 =	sshll.u32 s6, $0x1;
	s3 =	sadd.s32 s4, s19  }
0x9c: {  	s7 =	simm.s32 $0x0;
	s20 =	sshll.u32 s5, $0x1;
	s5 =	sadd.s32 s21, s3  }
0x9d: {  	[timem:s7], [sflag:s22] =	dma.local [hbm:s5], s20  }
0x9e: {  	_ =	swait.ge [sflag:s22], s20  }
0x9f: {  	s4 =	ssub.s32 $0x0, s20;
	[sflag:s22] =	ssyncset.done $0x0  }
0xa0: {  	[sflag:s22] =	ssyncadd.s32 s4;
	_ =	sdelay $0x1  }
0xa1: {  	s23 =	simm.s32 $0x1B8B  }
0xa2: {  	_ =	swait.ge [sflag:s23], $0x1  }
0xa3: {  	[sflag:s23] =	ssyncset.done $0x0  }
0xa4: {  	s25 =	simm.s32 $0x1B8E;
	s24 =	sld [smem:$0x3FFE];
	[sflag:s23] =	ssyncadd.s32 $0xFFFFFFFF  }
0xa5: {  	s26 =	simm.s32 $execute0_lowered;
	[smem:$0x3FD2] =	sst s25  }
0xa6: {  	s5 =	sshll.u32 s26, $0x1;
	_ =	strace $0x8000004C;
	[dreg:$0x1] =	wrdreg $0xFFFFFFFF  }
0xa7: {  	s28 =	simm.s32 $_size_execute0_lowered;
	s3 =	sadd.s32 s3, s5;
	[dreg:$0x0] =	wrdreg $0x0  }
0xa8: {  	s5 =	sshll.u32 s28, $0x1;
	[dreg:$0x2] =	wrdreg s3  }
0xa9: {  	[dreg:$0x3] =	wrdreg s5  }
0xaa: {  	[dreg:$0x4] =	wrdreg $0xC0  }
0xab: {  	_ =	task [dreg:s7], $0x5FFFF  }
0xac: {  	[dreg:$0x1] =	wrdreg $0xFFFFFFFF  }
0xad: {  	[dreg:$0x0] =	wrdreg $0x60  }
0xae: {  	[dreg:$0x2] =	wrdreg s24  }
0xaf: {  	[dreg:$0x3] =	wrdreg s2  }
0xb0: {  	[dreg:$0x4] =	wrdreg $0x160800  }
0xb1: {  	[dreg:$0x5] =	wrdreg $0x9  }
0xb2: {  	_ =	task.clear_ibuf [dreg:s7], $0x6FFFF;
	_ =	strace $0x9000004C  }
0xb3: {  	s29 =	simm.s32 $0x9;
	_ =	strace $0x8000004E  }
0xb4: {  	_ =	swait.ge [sflag:s29], $0x1  }
0xb5: {  	[sflag:s29] =	ssyncadd.s32 $0xFFFFFFFF  }
0xb6: {  	_ =	strace $0x9000004E  }
0xb7: {  	_ =	sfence  }
0xb8: {  	s30 =	sld [smem:$0x0];
	_ =	sdelay $0x2  }
0xb9: {  	s31 =	sshll.u32 s1, $0xD;
	s1 =	sshrl.u32 s1, $0x2  }
0xba: {  	s3 =	sand.u32 $0x4000, s31;
	s1 =	sadd.s32 s1, s30  }
0xbb: {  	s0 =	sor.u32 s3, s0;
	s1 =	sshll.u32 s1, $0x11  }
0xbc: {  	s0 =	sor.u32 s1, s0  }
0xbd: {  	s0 =	sadd.s32 $0x8F2B, s0  }
0xbe: {  	[sflag:s0] =	ssyncadd.remote.s32 $0x1  }
0xbf: {  	_ =	sfence.sel $0xFFFF  }
0xc0: {  	[dreg:$0x0] =	wrdreg $0xFFFFFFFF;
	(pc) =	sbr.abs _section_cstart, $3  }
0xc1: {  	[dreg:$0x1] =	wrdreg $0xFFFFFFFF  }
0xc2: {  	_ =	task.clear_ibuf [dreg:s7], $0x2FFFF;
	_ =	strace $0x9FFFFFFF  }
0xc3: {  	(tm) =	ssettm $0x7FFFFFFF  }
tec
execute0_lowered:
.L_overlay_start_1:
0x0: {  	(tag) =	ssettag $0x1  }
0x1: {  	s5 =	rddreg [dreg:$0x0]  }
0x2: {  	s0 =	srdreg.scid;
	s9 =	rddreg [dreg:$0x1]  }
0x3: {  	s2 =	rddreg [dreg:$0x2];
	s3 =	simm.s32 $0x0;
	s13 =	simm.s32 $0x1400  }
0x4: {  	s14 =	simm.s32 $0x7D;
	s15 =	simm.s32 $0x1;
	s16 =	simm.s32 $0x2  }
0x5: {  	s17 =	simm.s32 $0x0;
	s6 =	sand.u32 $0x1, s0;
	s0 =	stileid.u32  }
0x6: {  	[smem:$0x7FF] =	sst s3;
	s1 =	sshll.u32 s6, $0x4;
	s7 =	smul.u32 $0x2800, s0  }
0x7: {  	s11 =	ssub.s32 $0x2, s6;
	s12 =	smul.u32 $0x28000, s6;
	s31 =	sshll.u32 s0, $0x6  }
0x8: {  	s4 =	sor.u32 s0, s1;
	s1 =	rddreg [dreg:$0x3];
	_ =	strace $0x8000004D  }
0x9: {  	s29 =	sshrl.u32 s11, $0x1;
	s6 =	sor.u32 $0x1C03, s31;
	s4 =	smul.u32 $0x280, s4  }
0xa: {  	s10 =	sshrl.u32 s7, $0x3;
	s30 =	sadd.s32 s7, s2;
	s12 =	sadd.s32 s7, s12  }
0xb: {  	s12 =	sshrl.u32 s12, $0x3;
	s8 =	sadd.s32 s4, s5;
	s4 =	sadd.s32 $0x11000, s5  }
0xc: {  	s5 =	sadd.s32 s10, s5;
	s10 =	ssub.s32 s11, s29;
	s9 =	sadd.s32 s9, s12  }
0xd: {  	s11 =	sshrl.u32 s30, $0x3;
	s12 =	simm.s32 $0x3;
	s5 =	sadd.s32 $0x7000, s5  }
0xe: {  	s7 =	sadd.s32 $0xC000, s8;
	s8 =	sadd.s32 $0x1E00, s8;
	s10 =	smax.u32 s10, $0x1  }
.LBB2_1:
0xf: {  	[spmem:s11], [sflag:s6] =	dma.local [hbm:s5], $0x500  }
0x10: {  	_ =	swait.ge [sflag:s12], $0x500  }
0x11: {  	[sflag:s12] =	ssyncset.done $0x0  }
0x12: {  	[sflag:s12] =	ssyncadd.s32 $0xFFFFFB00  }
0x13: {  	[tilespmem:s3], [sflag:$0x3] =	stream.linear.gather [hbm4b:s7+s3], $0x1400, $0x38;
	[tilespmem:$0x18880] =	vst v63  }
0x14: {  	_ =	swait.ge [sflag:s12], $0x1400  }
0x15: {  	[sflag:s12] =	ssyncset.done $0x0  }
0x16: {  	[sflag:s12] =	ssyncadd.s32 $0xFFFFEC00  }
0x17: {  	[tilespmem:s13], [sflag:$0x3] =	stream.linear.gather [hbm4b:s8+s3], $0x1400, $0x38;
	[tilespmem:$0x18880] =	vst v63  }
0x18: {  	_ =	swait.ge [sflag:s12], $0x1400  }
0x19: {  	[sflag:s12] =	ssyncset.done $0x0  }
0x1a: {  	s18 =	simm.s32 $0x2800;
	[sflag:s12] =	ssyncadd.s32 $0xFFFFEC00  }
0x1b: {  	s19 =	simm.s32 $0x2800;
	s20 =	simm.s32 $0x0;
	[bflag:$0x0] =	sbarrier.arrive $0xFFFF  }
.LBB2_2:
0x1c: {  	p0 =	sne.s32 s20, $0x4E00  }
.Ltmp0:
0x1d: {  	_ = 	snop;
	(pc) =	sbr.rel @p0 .LBB2_2-.Ltmp0, $4  }
0x1e: {  	_ = 	snop  }
0x1f: {  	s21 =	sshra.s32 s20, $0x2  }
0x20: {  	[tilespmem:s19], [sflag:$0x1] =	stream.indirect.gather [hbm4b:s4+s14], $0x10, s21, s14, $0xb8;
	[tilespmem:$0x18880] =	vst v63  }
0x21: {  	s20 =	sadd.s32 $0x200, s20;
	s19 =	sadd.s32 $0x7D0, s19  }
0x22: {  	_ =	swait.ge [sflag:s15], $0x7D0  }
0x23: {  	[sflag:s15] =	ssyncset.done $0x0  }
0x24: {  	s19 =	simm.s32 $0x1400;
	[sflag:s15] =	ssyncadd.s32 $0xFFFFF830  }
0x25: {  	[spmem:s2] =	stream.indirect.scatter.add.f32 [tilespmem:s18], [sflag:$0x2], $0x10, s19, s14, $0xb8;
	[tilespmem:$0x18880] =	vst v63  }
0x26: {  	s19 =	simm.s32 $0x200  }
.LBB2_4:
0x27: {  	_ =	swait.ge [sflag:s15], $0x7D0;
	p0 =	sne.s32 s19, $0x4E00  }
.Ltmp1:
0x28: {  	(pc) =	sbr.rel @p0 .LBB2_4-.Ltmp1, $4  }
0x29: {  	s20 =	sshra.s32 s19, $0x2  }
0x2a: {  	s19 =	sadd.s32 $0x200, s19;
	[sflag:s15] =	ssyncset.done $0x0  }
0x2b: {  	s18 =	sadd.s32 $0x7D0, s18;
	s20 =	sadd.s32 $0x1400, s20;
	[sflag:s15] =	ssyncadd.s32 $0xFFFFF830  }
0x2c: {  	[spmem:s2] =	stream.indirect.scatter.add.f32 [tilespmem:s18], [sflag:$0x2], $0x10, s20, s14, $0xb8;
	[tilespmem:$0x18880] =	vst v63  }
0x2d: {  	_ =	swait.ge [sflag:s16], $0x7D0  }
0x2e: {  	s18 =	simm.s32 $0x27;
	[sflag:s16] =	ssyncset.done $0x0  }
.LBB2_6:
0x2f: {  	p0 =	sne.s32 s18, $0x1;
	s18 =	sadd.s32 $0xFFFFFFFF, s18;
	[sflag:s16] =	ssyncadd.s32 $0xFFFFF830  }
.Ltmp2:
0x30: {  	(pc) =	sbr.rel @p0 .LBB2_6-.Ltmp2, $3  }
0x31: {  	_ =	sdelay $0x1  }
0x32: {  	_ =	swait.ge [sflag:s16], $0x7D0  }
0x33: {  	[sflag:s16] =	ssyncset.done $0x0  }
0x34: {  	s17 =	sadd.s32 $0x1, s17  }
0x35: {  	[sflag:s16] =	ssyncadd.s32 $0xFFFFF830;
	p0 =	sne.s32 s17, s10  }
.Ltmp3:
0x36: {  	[bflag:$0x0] =	sbarrier.arrive $0xFFFF;
	(pc) =	sbr.rel @p0 .LBB2_1-.Ltmp3, $4  }
0x37: {  	[hbm:s9], [sflag:s6] =	dma.local [spmem:s11], $0x500  }
0x38: {  	_ =	swait.ge [sflag:s12], $0x500  }
0x39: {  	[sflag:s12] =	ssyncset.done $0x0  }
0x3a: {  	[sflag:s12] =	ssyncadd.s32 $0xFFFFFB00  }
0x3b: {  	_ =	sfence.sel $0x180000  }
0x3c: {  	[bflag:$0x0] =	sbarrier.arrive $0xFFFF  }
0x3d: {  	p0 =	sne.s32 s0, $0x0;
	_ =	strace $0x9000004D  }
0x3e: {  	s0 =	sadd.s32 @!p0 $0x100000, s1;
	[bflag:$0x2] =	sbarrier.arrive $0xFFFF  }
0x3f: {  	[sflag:s0] =	ssyncadd.tile.s32 @!p0 $0x1;
	_ =	shalt  }
.Lfunc_end2:
_tile_overlayer_lowered:
.L_overlay_start_2:
0x40: {  	(tag) =	ssettag $0x2  }
0x41: {  	s0 =	rddreg [dreg:$0x0];
	s2 =	stileid.u32  }
0x42: {  	s1 =	rddreg [dreg:$0x1];
	p0 =	sne.s32 s2, $0x0  }
0x43: {  	s3 =	rddreg [dreg:$0x2];
	[bflag:$0x3] =	sbarrier.arrive $0xFFFF;
	s2 =	simm.s32 @!p0 $0x1C03  }
0x44: {  	[timem:s3], [sflag:s2] =	dma.local @!p0 [hbm:s0], s1  }
0x45: {  	s0 =	simm.s32 @!p0 $0x3  }
0x46: {  	_ =	swait.ge @!p0 [sflag:s0], s1  }
0x47: {  	s1 =	ssub.s32 @!p0 $0x0, s1;
	[sflag:s0] =	ssyncset.done @!p0 $0x0  }
0x48: {  	[sflag:s0] =	ssyncadd.s32 @!p0 s1  }
0x49: {  	[bflag:$0x3] =	sbarrier.arrive $0xFFFF  }
0x4a: {  	_ =	shalt  }

// kernel: kernel.9.cloned.1.call-start
scs
__scs_entry_jumppad:
0x0: {  	(pc) =	sbr.rel $0x88, $3  }
0x1: {  	(tag) =	ssettag $0x0;
	lr =	simm.s32 $0x1  }
0x2: {  	[smem:$0x3F9B] =	sst lr;
	_ =	strace $0xD0000000  }
0x3: {  	_ = 	snop  }
0x4: {  	_ = 	snop  }
0x5: {  	_ = 	snop  }
0x6: {  	_ = 	snop  }
0x7: {  	_ = 	snop  }
__scs_overlays_trampoline_lowered:
0x8: {  	[smem:$0x3FAA] =	sst s0  }
0x9: {  	[smem:$0x3FAB] =	sst s1  }
0xa: {  	[smem:$0x3FAC] =	sst s2  }
0xb: {  	[smem:$0x3FAD] =	sst s3  }
0xc: {  	[smem:$0x3FAE] =	sst s4  }
0xd: {  	[smem:$0x3FAF] =	sst s5  }
0xe: {  	[smem:$0x3FB0] =	sst s6  }
0xf: {  	[smem:$0x3FB1] =	sst s7  }
0x10: {  	[smem:$0x3FB2] =	sst s8  }
0x11: {  	[smem:$0x3FB3] =	sst s9;
	s0 =	simm.s32 @!p0 $0x0  }
0x12: {  	s1 =	sld [smem:$0x3F99];
	s0 =	simm.s32 @p0 $0x1  }
0x13: {  	[smem:$0x3FB4] =	sst s0;
	s0 =	simm.s32 @!p1 $0x0  }
0x14: {  	s2 =	sld [smem:$0x3F98];
	s0 =	simm.s32 @p1 $0x1  }
0x15: {  	[smem:$0x3FB5] =	sst s0;
	s0 =	simm.s32 @!p2 $0x0  }
0x16: {  	s3 =	sld [smem:$0x3FDB];
	s0 =	simm.s32 @p2 $0x1  }
0x17: {  	s4 =	simm.s32 $0x1BF5;
	[smem:$0x3FB7] =	sst s0  }
0x18: {  	s0 =	sld [smem:$0x3F9A];
	_ =	swait.ge [sflag:s4], $0x0  }
0x19: {  	s7 =	sld [smem:$0x3F9B]  }
0x1a: {  	s8 =	sadd.s32 $0xFFFFE003, lr  }
0x1b: {  	s9 =	sadd.s32 $0xFFFFFEF7, lr;
	s5 =	simm.s32 $0xFFFFFFFF;
	p2 =	slt.u32 s8, $0xFFFFF086  }
0x1c: {  	p1 =	slt.u32 s9, $0xF7A;
	s5 =	simm.s32 @!p2 $0x0  }
0x1d: {  	s5 =	simm.s32 @p1 $0x1;
	p0 =	seq.s32 s7, s2  }
0x1e: {  	s7 =	smul.u32 @!p0 $0xF7A, s2;
	p2 =	seq.s32 @!p0 s5, $0x0  }
0x1f: {  	s9 =	smul.u32 $0xF7A, s1;
	s8 =	simm.s32 @!p0 $0x1BF5;
	p2 =	por !p2, p0  }
0x20: {  	[sflag:s8] =	ssyncset.s32 @!p0 $0xFFFFF086;
	s6 =	sadd.s32 @!p0 s3, s7;
	s7 =	simm.s32 @!p0 $0x108  }
0x21: {  	s3 =	sadd.s32 s3, s9;
	s6 =	sadd.s32 @!p0 $0x88, s6;
	s7 =	simm.s32 @p2 $0x1082  }
0x22: {  	[simem:s7], [sflag:s8] =	dma.local @!p0 [hbm:s6], $0xF7A  }
0x23: {  	s9 =	sor.u32 $0xD0000000, s2;
	s6 =	simm.s32 $0x108;
	_ =	swait.ge @!p0 [sflag:s8], $0x0  }
0x24: {  	s3 =	sadd.s32 $0x88, s3;
	s6 =	simm.s32 @!p1 $0x1082;
	[sflag:s4] =	ssyncset.s32 $0xFFFFF086  }
0x25: {  	[simem:s6], [sflag:s4] =	dma.local [hbm:s3], $0xF7A  }
0x26: {  	[smem:$0x3F9B] =	sst s1;
	(tag) =	ssettag s2;
	_ =	strace s9  }
0x27: {  	s1 =	sld [smem:$0x3FAB]  }
0x28: {  	s2 =	sld [smem:$0x3FAC]  }
0x29: {  	s4 =	sld [smem:$0x3FAE]  }
0x2a: {  	p0 =	seq.s32 s5, $0x0;
	s5 =	sld [smem:$0x3FAF]  }
0x2b: {  	s6 =	sld [smem:$0x3FB0]  }
0x2c: {  	s7 =	sld [smem:$0x3FB1]  }
0x2d: {  	s3 =	simm.s32 $0x108;
	s8 =	sld [smem:$0x3FB2]  }
0x2e: {  	s3 =	simm.s32 @!p0 $0x1082;
	s9 =	sld [smem:$0x3FB3]  }
0x2f: {  	lr =	sadd.s32 s0, s3;
	s0 =	sld [smem:$0x3FAA]  }
0x30: {  	s3 =	sld [smem:$0x3FAD]  }
0x31: {  	[smem:$0x3FB6] =	sst s10  }
0x32: {  	s10 =	sld [smem:$0x3FB4];
	_ =	sdelay $0x3  }
0x33: {  	p0 =	seq.s32 s10, $0x1;
	s10 =	sld [smem:$0x3FB6];
	_ =	sdelay $0x3  }
0x34: {  	[smem:$0x3FB6] =	sst s10  }
0x35: {  	s10 =	sld [smem:$0x3FB5];
	_ =	sdelay $0x3  }
0x36: {  	p1 =	seq.s32 s10, $0x1;
	s10 =	sld [smem:$0x3FB6];
	_ =	sdelay $0x3  }
0x37: {  	[smem:$0x3FB6] =	sst s10  }
0x38: {  	s10 =	sld [smem:$0x3FB7]  }
0x39: {  	_ = 	snop;
	(pc) =	sbr.ind lr, $3  }
0x3a: {  	_ = 	snop  }
0x3b: {  	_ = 	snop  }
0x3c: {  	p2 =	seq.s32 s10, $0x1;
	s10 =	sld [smem:$0x3FB6]  }
0x3d: {  	_ =	shalt  }
0x3e: {  	_ =	shalt  }
0x3f: {  	_ =	shalt  }
0x40: {  	_ =	shalt  }
0x41: {  	_ =	shalt  }
0x42: {  	_ =	shalt  }
0x43: {  	_ =	shalt  }
0x44: {  	_ =	shalt  }
0x45: {  	_ =	shalt  }
0x46: {  	_ =	shalt  }
0x47: {  	_ =	shalt  }
0x48: {  	_ =	shalt  }
0x49: {  	_ =	shalt  }
0x4a: {  	_ =	shalt  }
0x4b: {  	_ =	shalt  }
0x4c: {  	_ =	shalt  }
0x4d: {  	_ =	shalt  }
0x4e: {  	_ =	shalt  }
0x4f: {  	_ =	shalt  }
0x50: {  	_ =	shalt  }
0x51: {  	_ =	shalt  }
0x52: {  	_ =	shalt  }
0x53: {  	_ =	shalt  }
0x54: {  	_ =	shalt  }
0x55: {  	_ =	shalt  }
0x56: {  	_ =	shalt  }
0x57: {  	_ =	shalt  }
0x58: {  	_ =	shalt  }
0x59: {  	_ =	shalt  }
0x5a: {  	_ =	shalt  }
0x5b: {  	_ =	shalt  }
0x5c: {  	_ =	shalt  }
0x5d: {  	_ =	shalt  }
0x5e: {  	_ =	shalt  }
0x5f: {  	_ =	shalt  }
0x60: {  	_ =	shalt  }
0x61: {  	_ =	shalt  }
0x62: {  	_ =	shalt  }
0x63: {  	_ =	shalt  }
0x64: {  	_ =	shalt  }
0x65: {  	_ =	shalt  }
0x66: {  	_ =	shalt  }
0x67: {  	_ =	shalt  }
0x68: {  	_ =	shalt  }
0x69: {  	_ =	shalt  }
0x6a: {  	_ =	shalt  }
0x6b: {  	_ =	shalt  }
0x6c: {  	_ =	shalt  }
0x6d: {  	_ =	shalt  }
0x6e: {  	_ =	shalt  }
0x6f: {  	_ =	shalt  }
0x70: {  	_ =	shalt  }
0x71: {  	_ =	shalt  }
0x72: {  	_ =	shalt  }
0x73: {  	_ =	shalt  }
0x74: {  	_ =	shalt  }
0x75: {  	_ =	shalt  }
0x76: {  	_ =	shalt  }
0x77: {  	_ =	shalt  }
0x78: {  	_ =	shalt  }
0x79: {  	_ =	shalt  }
0x7a: {  	_ =	shalt  }
0x7b: {  	_ =	shalt  }
0x7c: {  	_ =	shalt  }
0x7d: {  	_ =	shalt  }
0x7e: {  	_ =	shalt  }
0x7f: {  	_ =	shalt  }
0x80: {  	_ =	shalt  }
0x81: {  	_ =	shalt  }
0x82: {  	_ =	shalt  }
0x83: {  	_ =	shalt  }
0x84: {  	_ =	shalt  }
0x85: {  	_ =	shalt  }
0x86: {  	_ =	shalt  }
0x87: {  	_ =	shalt  }
.Lfunc_end0:
.L_simem_size_0:
called_computation_lowered:
.L_overlay_start_0:
0x88: {  	s2 =	sld [smem:$0x3FD9]  }
0x89: {  	s3 =	sld [smem:$0x3FFE];
	_ =	sdelay $0x1  }
0x8a: {  	s1 =	srdreg.scid  }
0x8b: {  	s0 =	sand.u32 $0x1, s1  }
0x8c: {  	s17 =	sshll.u32 s0, $0xA;
	s2 =	sadd.s32 s3, s2  }
0x8d: {  	s2 =	sadd.s32 s2, s17  }
0x8e: {  	[smem:$0x3FC2] =	sst s2  }
0x8f: {  	_ = 	snop  }
0x90: {  	s2 =	sld [smem:$0x3FD0];
	(tm) =	ssettm $0x1  }
0x91: {  	s18 =	sld [smem:$0x3FFB];
	_ =	sdelay $0x3  }
0x92: {  	_ =	strace s18  }
0x93: {  	s3 =	sld [smem:$0x3FFC];
	_ =	sdelay $0x3  }
0x94: {  	_ =	strace s3  }
0x95: {  	s3 =	sld [smem:$0x3FFD];
	_ =	sdelay $0x3  }
0x96: {  	_ =	strace s3  }
0x97: {  	_ =	strace $0x8FFFFFFF  }
0x98: {  	s19 =	sld [smem:$0x3FDB];
	_ =	sdelay $0x1  }
0x99: {  	s4 =	simm.s32 $_scs_section_size  }
0x9a: {  	s5 =	simm.s32 $_size__tile_overlayer_lowered;
	s6 =	simm.s32 $_tile_overlayer_lowered  }
0x9b: {  	s22 =	simm.s32 $0x1BFF;
	s21 =	sshll.u32 s6, $0x1;
	s3 =	sadd.s32 s4, s19  }
0x9c: {  	s7 =	simm.s32 $0x0;
	s20 =	sshll.u32 s5, $0x1;
	s5 =	sadd.s32 s21, s3  }
0x9d: {  	[timem:s7], [sflag:s22] =	dma.local [hbm:s5], s20  }
0x9e: {  	_ =	swait.ge [sflag:s22], s20  }
0x9f: {  	s4 =	ssub.s32 $0x0, s20;
	[sflag:s22] =	ssyncset.done $0x0  }
0xa0: {  	[sflag:s22] =	ssyncadd.s32 s4;
	_ =	sdelay $0x1  }
0xa1: {  	s23 =	simm.s32 $0x1B8B  }
0xa2: {  	_ =	swait.ge [sflag:s23], $0x1  }
0xa3: {  	[sflag:s23] =	ssyncset.done $0x0  }
0xa4: {  	s25 =	simm.s32 $0x1B8E;
	s24 =	sld [smem:$0x3FFE];
	[sflag:s23] =	ssyncadd.s32 $0xFFFFFFFF  }
0xa5: {  	s26 =	simm.s32 $execute0_lowered;
	[smem:$0x3FD2] =	sst s25  }
0xa6: {  	s5 =	sshll.u32 s26, $0x1;
	_ =	strace $0x80000046;
	[dreg:$0x1] =	wrdreg $0xFFFFFFFF  }
0xa7: {  	s28 =	simm.s32 $_size_execute0_lowered;
	s3 =	sadd.s32 s3, s5;
	[dreg:$0x0] =	wrdreg $0x0  }
0xa8: {  	s5 =	sshll.u32 s28, $0x1;
	[dreg:$0x2] =	wrdreg s3  }
0xa9: {  	[dreg:$0x3] =	wrdreg s5  }
0xaa: {  	[dreg:$0x4] =	wrdreg $0xC0  }
0xab: {  	_ =	task [dreg:s7], $0x5FFFF  }
0xac: {  	[dreg:$0x1] =	wrdreg $0xFFFFFFFF  }
0xad: {  	[dreg:$0x0] =	wrdreg $0x60  }
0xae: {  	[dreg:$0x2] =	wrdreg s24  }
0xaf: {  	[dreg:$0x3] =	wrdreg s2  }
0xb0: {  	[dreg:$0x4] =	wrdreg $0x1BD00  }
0xb1: {  	[dreg:$0x5] =	wrdreg $0x9  }
0xb2: {  	_ =	task.clear_ibuf [dreg:s7], $0x6FFFF;
	_ =	strace $0x90000046  }
0xb3: {  	s29 =	simm.s32 $0x9;
	_ =	strace $0x80000048  }
0xb4: {  	_ =	swait.ge [sflag:s29], $0x1  }
0xb5: {  	[sflag:s29] =	ssyncadd.s32 $0xFFFFFFFF  }
0xb6: {  	_ =	strace $0x90000048  }
0xb7: {  	_ =	sfence  }
0xb8: {  	s30 =	sld [smem:$0x0];
	_ =	sdelay $0x2  }
0xb9: {  	s31 =	sshll.u32 s1, $0xD;
	s1 =	sshrl.u32 s1, $0x2  }
0xba: {  	s3 =	sand.u32 $0x4000, s31;
	s1 =	sadd.s32 s1, s30  }
0xbb: {  	s0 =	sor.u32 s3, s0;
	s1 =	sshll.u32 s1, $0x11  }
0xbc: {  	s0 =	sor.u32 s1, s0  }
0xbd: {  	s0 =	sadd.s32 $0x8F2B, s0  }
0xbe: {  	[sflag:s0] =	ssyncadd.remote.s32 $0x1  }
0xbf: {  	_ =	sfence.sel $0xFFFF  }
0xc0: {  	[dreg:$0x0] =	wrdreg $0xFFFFFFFF;
	(pc) =	sbr.abs _section_cstart, $3  }
0xc1: {  	[dreg:$0x1] =	wrdreg $0xFFFFFFFF  }
0xc2: {  	_ =	task.clear_ibuf [dreg:s7], $0x2FFFF;
	_ =	strace $0x9FFFFFFF  }
0xc3: {  	(tm) =	ssettm $0x7FFFFFFF  }
tec
execute0_lowered:
.L_overlay_start_1:
0x0: {  	(tag) =	ssettag $0x1  }
0x1: {  	s0 =	srdreg.scid;
	s1 =	rddreg [dreg:$0x0]  }
0x2: {  	s8 =	rddreg [dreg:$0x1];
	s12 =	stileid.u32  }
0x3: {  	s2 =	rddreg [dreg:$0x2];
	s13 =	simm.s32 $0x7D;
	s18 =	simm.s32 $0xC00  }
0x4: {  	s19 =	simm.s32 $0xC80;
	s20 =	simm.s32 $0xD00;
	s21 =	simm.s32 $0xD80  }
0x5: {  	s22 =	simm.s32 $0xE00;
	s23 =	simm.s32 $0xE80;
	s28 =	simm.s32 $0x1080  }
0x6: {  	s29 =	simm.s32 $0x1100;
	s30 =	simm.s32 $0x1180;
	s31 =	simm.s32 $0x1200  }
0x7: {  	s14 =	simm.s32 $0x1380;
	s15 =	simm.s32 $0x1;
	s16 =	simm.s32 $0x0  }
0x8: {  	s0 =	sand.u32 $0x1, s0;
	s5 =	smul.u32 $0x2800, s12;
	s26 =	sshll.u32 s12, $0x6  }
0x9: {  	s3 =	sshll.u32 s0, $0x4;
	s6 =	ssub.s32 $0x2, s0;
	s0 =	smul.u32 $0x28000, s0  }
0xa: {  	s4 =	sor.u32 s12, s3;
	s3 =	simm.s32 $0x0;
	s24 =	sshrl.u32 s5, $0x3  }
0xb: {  	s9 =	sshrl.u32 s6, $0x1;
	s11 =	sadd.s32 s5, s2;
	s12 =	simm.s32 $0x1400  }
0xc: {  	s4 =	smul.u32 $0x280, s4;
	[smem:$0x7FF] =	sst s3;
	s10 =	sadd.s32 s24, s1  }
0xd: {  	s25 =	ssub.s32 s6, s9;
	s0 =	sadd.s32 s5, s0;
	s6 =	sor.u32 $0x1C02, s26  }
0xe: {  	s24 =	simm.s32 $0xF00;
	s26 =	simm.s32 $0x1000;
	_ =	strace $0x80000047  }
0xf: {  	s5 =	sadd.s32 $0x7000, s10;
	s0 =	sshrl.u32 s0, $0x3;
	s9 =	smax.u32 s25, $0x1  }
0x10: {  	s10 =	sshrl.u32 s11, $0x3;
	s11 =	simm.s32 $0x2;
	s25 =	simm.s32 $0xF80  }
0x11: {  	s7 =	sadd.s32 s4, s1;
	s4 =	sadd.s32 $0x6E00, s1;
	s8 =	sadd.s32 s8, s0  }
0x12: {  	s1 =	simm.s32 $0x1280;
	s0 =	simm.s32 $0x1300;
	s7 =	sadd.s32 $0x1E00, s7  }
.LBB2_1:
0x13: {  	[spmem:s10], [sflag:s6] =	dma.local [hbm:s5], $0x500  }
0x14: {  	_ =	swait.ge [sflag:s11], $0x500  }
0x15: {  	[sflag:s11] =	ssyncset.done $0x0  }
0x16: {  	[sflag:s11] =	ssyncadd.s32 $0xFFFFFB00  }
0x17: {  	[tilespmem:s3], [sflag:$0x2] =	stream.linear.gather [hbm4b:s7+s3], $0x1400, $0x38;
	[tilespmem:$0x43D0] =	vst v63  }
0x18: {  	_ =	swait.ge [sflag:s11], $0x1400  }
0x19: {  	[sflag:s11] =	ssyncset.done $0x0  }
0x1a: {  	[sflag:s11] =	ssyncadd.s32 $0xFFFFEC00  }
0x1b: {  	[tilespmem:s12], [sflag:$0x2] =	stream.linear.gather [hbm4b:s4+s3], $0x7D0, $0x38;
	[tilespmem:$0x43D0] =	vst v63  }
0x1c: {  	_ =	swait.ge [sflag:s11], $0x7D0  }
0x1d: {  	[sflag:s11] =	ssyncset.done $0x0  }
0x1e: {  	[sflag:s11] =	ssyncadd.s32 $0xFFFFF830  }
0x1f: {  	[bflag:$0x0] =	sbarrier.arrive $0xFFFF  }
0x20: {  	[spmem:s2] =	stream.indirect.scatter.add.f32 [tilespmem:s12], [sflag:$0x1], $0x10, s3, s13, $0xb8;
	[tilespmem:$0x43D0] =	vst v63  }
0x21: {  	s17 =	simm.s32 $0x80  }
0x22: {  	[spmem:s2] =	stream.indirect.scatter.add.f32 [tilespmem:s12], [sflag:$0x1], $0x10, s17, s13, $0xb8;
	[tilespmem:$0x43D0] =	vst v63  }
0x23: {  	s17 =	simm.s32 $0x100  }
0x24: {  	[spmem:s2] =	stream.indirect.scatter.add.f32 [tilespmem:s12], [sflag:$0x1], $0x10, s17, s13, $0xb8;
	[tilespmem:$0x43D0] =	vst v63  }
0x25: {  	s17 =	simm.s32 $0x180  }
0x26: {  	[spmem:s2] =	stream.indirect.scatter.add.f32 [tilespmem:s12], [sflag:$0x1], $0x10, s17, s13, $0xb8;
	[tilespmem:$0x43D0] =	vst v63  }
0x27: {  	s17 =	simm.s32 $0x200  }
0x28: {  	[spmem:s2] =	stream.indirect.scatter.add.f32 [tilespmem:s12], [sflag:$0x1], $0x10, s17, s13, $0xb8;
	[tilespmem:$0x43D0] =	vst v63  }
0x29: {  	s17 =	simm.s32 $0x280  }
0x2a: {  	[spmem:s2] =	stream.indirect.scatter.add.f32 [tilespmem:s12], [sflag:$0x1], $0x10, s17, s13, $0xb8;
	[tilespmem:$0x43D0] =	vst v63  }
0x2b: {  	s17 =	simm.s32 $0x300  }
0x2c: {  	[spmem:s2] =	stream.indirect.scatter.add.f32 [tilespmem:s12], [sflag:$0x1], $0x10, s17, s13, $0xb8;
	[tilespmem:$0x43D0] =	vst v63  }
0x2d: {  	s17 =	simm.s32 $0x380  }
0x2e: {  	[spmem:s2] =	stream.indirect.scatter.add.f32 [tilespmem:s12], [sflag:$0x1], $0x10, s17, s13, $0xb8;
	[tilespmem:$0x43D0] =	vst v63  }
0x2f: {  	s17 =	simm.s32 $0x400  }
0x30: {  	[spmem:s2] =	stream.indirect.scatter.add.f32 [tilespmem:s12], [sflag:$0x1], $0x10, s17, s13, $0xb8;
	[tilespmem:$0x43D0] =	vst v63  }
0x31: {  	s17 =	simm.s32 $0x480  }
0x32: {  	[spmem:s2] =	stream.indirect.scatter.add.f32 [tilespmem:s12], [sflag:$0x1], $0x10, s17, s13, $0xb8;
	[tilespmem:$0x43D0] =	vst v63  }
0x33: {  	s17 =	simm.s32 $0x500  }
0x34: {  	[spmem:s2] =	stream.indirect.scatter.add.f32 [tilespmem:s12], [sflag:$0x1], $0x10, s17, s13, $0xb8;
	[tilespmem:$0x43D0] =	vst v63  }
0x35: {  	s17 =	simm.s32 $0x580  }
0x36: {  	[spmem:s2] =	stream.indirect.scatter.add.f32 [tilespmem:s12], [sflag:$0x1], $0x10, s17, s13, $0xb8;
	[tilespmem:$0x43D0] =	vst v63  }
0x37: {  	s17 =	simm.s32 $0x600  }
0x38: {  	[spmem:s2] =	stream.indirect.scatter.add.f32 [tilespmem:s12], [sflag:$0x1], $0x10, s17, s13, $0xb8;
	[tilespmem:$0x43D0] =	vst v63  }
0x39: {  	s17 =	simm.s32 $0x680  }
0x3a: {  	[spmem:s2] =	stream.indirect.scatter.add.f32 [tilespmem:s12], [sflag:$0x1], $0x10, s17, s13, $0xb8;
	[tilespmem:$0x43D0] =	vst v63  }
0x3b: {  	s17 =	simm.s32 $0x700  }
0x3c: {  	[spmem:s2] =	stream.indirect.scatter.add.f32 [tilespmem:s12], [sflag:$0x1], $0x10, s17, s13, $0xb8;
	[tilespmem:$0x43D0] =	vst v63  }
0x3d: {  	s17 =	simm.s32 $0x780  }
0x3e: {  	[spmem:s2] =	stream.indirect.scatter.add.f32 [tilespmem:s12], [sflag:$0x1], $0x10, s17, s13, $0xb8;
	[tilespmem:$0x43D0] =	vst v63  }
0x3f: {  	s17 =	simm.s32 $0x800  }
0x40: {  	[spmem:s2] =	stream.indirect.scatter.add.f32 [tilespmem:s12], [sflag:$0x1], $0x10, s17, s13, $0xb8;
	[tilespmem:$0x43D0] =	vst v63  }
0x41: {  	s17 =	simm.s32 $0x880  }
0x42: {  	[spmem:s2] =	stream.indirect.scatter.add.f32 [tilespmem:s12], [sflag:$0x1], $0x10, s17, s13, $0xb8;
	[tilespmem:$0x43D0] =	vst v63  }
0x43: {  	s17 =	simm.s32 $0x900  }
0x44: {  	[spmem:s2] =	stream.indirect.scatter.add.f32 [tilespmem:s12], [sflag:$0x1], $0x10, s17, s13, $0xb8;
	[tilespmem:$0x43D0] =	vst v63  }
0x45: {  	s17 =	simm.s32 $0x980  }
0x46: {  	[spmem:s2] =	stream.indirect.scatter.add.f32 [tilespmem:s12], [sflag:$0x1], $0x10, s17, s13, $0xb8;
	[tilespmem:$0x43D0] =	vst v63  }
0x47: {  	s17 =	simm.s32 $0xA00  }
0x48: {  	[spmem:s2] =	stream.indirect.scatter.add.f32 [tilespmem:s12], [sflag:$0x1], $0x10, s17, s13, $0xb8;
	[tilespmem:$0x43D0] =	vst v63  }
0x49: {  	s17 =	simm.s32 $0xA80  }
0x4a: {  	[spmem:s2] =	stream.indirect.scatter.add.f32 [tilespmem:s12], [sflag:$0x1], $0x10, s17, s13, $0xb8;
	[tilespmem:$0x43D0] =	vst v63  }
0x4b: {  	s17 =	simm.s32 $0xB00  }
0x4c: {  	[spmem:s2] =	stream.indirect.scatter.add.f32 [tilespmem:s12], [sflag:$0x1], $0x10, s17, s13, $0xb8;
	[tilespmem:$0x43D0] =	vst v63  }
0x4d: {  	s17 =	simm.s32 $0xB80  }
0x4e: {  	[spmem:s2] =	stream.indirect.scatter.add.f32 [tilespmem:s12], [sflag:$0x1], $0x10, s17, s13, $0xb8;
	[tilespmem:$0x43D0] =	vst v63  }
0x4f: {  	_ = 	snop  }
0x50: {  	[spmem:s2] =	stream.indirect.scatter.add.f32 [tilespmem:s12], [sflag:$0x1], $0x10, s18, s13, $0xb8;
	[tilespmem:$0x43D0] =	vst v63  }
0x51: {  	_ = 	snop  }
0x52: {  	[spmem:s2] =	stream.indirect.scatter.add.f32 [tilespmem:s12], [sflag:$0x1], $0x10, s19, s13, $0xb8;
	[tilespmem:$0x43D0] =	vst v63  }
0x53: {  	_ = 	snop  }
0x54: {  	[spmem:s2] =	stream.indirect.scatter.add.f32 [tilespmem:s12], [sflag:$0x1], $0x10, s20, s13, $0xb8;
	[tilespmem:$0x43D0] =	vst v63  }
0x55: {  	_ = 	snop  }
0x56: {  	[spmem:s2] =	stream.indirect.scatter.add.f32 [tilespmem:s12], [sflag:$0x1], $0x10, s21, s13, $0xb8;
	[tilespmem:$0x43D0] =	vst v63  }
0x57: {  	_ = 	snop  }
0x58: {  	[spmem:s2] =	stream.indirect.scatter.add.f32 [tilespmem:s12], [sflag:$0x1], $0x10, s22, s13, $0xb8;
	[tilespmem:$0x43D0] =	vst v63  }
0x59: {  	_ = 	snop  }
0x5a: {  	[spmem:s2] =	stream.indirect.scatter.add.f32 [tilespmem:s12], [sflag:$0x1], $0x10, s23, s13, $0xb8;
	[tilespmem:$0x43D0] =	vst v63  }
0x5b: {  	_ = 	snop  }
0x5c: {  	[spmem:s2] =	stream.indirect.scatter.add.f32 [tilespmem:s12], [sflag:$0x1], $0x10, s24, s13, $0xb8;
	[tilespmem:$0x43D0] =	vst v63  }
0x5d: {  	_ = 	snop  }
0x5e: {  	[spmem:s2] =	stream.indirect.scatter.add.f32 [tilespmem:s12], [sflag:$0x1], $0x10, s25, s13, $0xb8;
	[tilespmem:$0x43D0] =	vst v63  }
0x5f: {  	_ = 	snop  }
0x60: {  	[spmem:s2] =	stream.indirect.scatter.add.f32 [tilespmem:s12], [sflag:$0x1], $0x10, s26, s13, $0xb8;
	[tilespmem:$0x43D0] =	vst v63  }
0x61: {  	_ = 	snop  }
0x62: {  	[spmem:s2] =	stream.indirect.scatter.add.f32 [tilespmem:s12], [sflag:$0x1], $0x10, s28, s13, $0xb8;
	[tilespmem:$0x43D0] =	vst v63  }
0x63: {  	_ = 	snop  }
0x64: {  	[spmem:s2] =	stream.indirect.scatter.add.f32 [tilespmem:s12], [sflag:$0x1], $0x10, s29, s13, $0xb8;
	[tilespmem:$0x43D0] =	vst v63  }
0x65: {  	_ = 	snop  }
0x66: {  	[spmem:s2] =	stream.indirect.scatter.add.f32 [tilespmem:s12], [sflag:$0x1], $0x10, s30, s13, $0xb8;
	[tilespmem:$0x43D0] =	vst v63  }
0x67: {  	_ = 	snop  }
0x68: {  	[spmem:s2] =	stream.indirect.scatter.add.f32 [tilespmem:s12], [sflag:$0x1], $0x10, s31, s13, $0xb8;
	[tilespmem:$0x43D0] =	vst v63  }
0x69: {  	_ = 	snop  }
0x6a: {  	[spmem:s2] =	stream.indirect.scatter.add.f32 [tilespmem:s12], [sflag:$0x1], $0x10, s1, s13, $0xb8;
	[tilespmem:$0x43D0] =	vst v63  }
0x6b: {  	_ = 	snop  }
0x6c: {  	[spmem:s2] =	stream.indirect.scatter.add.f32 [tilespmem:s12], [sflag:$0x1], $0x10, s0, s13, $0xb8;
	[tilespmem:$0x43D0] =	vst v63  }
0x6d: {  	_ = 	snop  }
0x6e: {  	[spmem:s2] =	stream.indirect.scatter.add.f32 [tilespmem:s12], [sflag:$0x1], $0x10, s14, s13, $0xb8;
	[tilespmem:$0x43D0] =	vst v63  }
0x6f: {  	_ =	swait.ge [sflag:s15], $0x7D0  }
0x70: {  	s17 =	simm.s32 $0x27;
	[sflag:s15] =	ssyncset.done $0x0  }
.LBB2_2:
0x71: {  	p0 =	sne.s32 s17, $0x1;
	s17 =	sadd.s32 $0xFFFFFFFF, s17;
	[sflag:s15] =	ssyncadd.s32 $0xFFFFF830  }
.Ltmp0:
0x72: {  	(pc) =	sbr.rel @p0 .LBB2_2-.Ltmp0, $3  }
0x73: {  	_ =	sdelay $0x1  }
0x74: {  	_ =	swait.ge [sflag:s15], $0x7D0  }
0x75: {  	[sflag:s15] =	ssyncset.done $0x0  }
0x76: {  	s16 =	sadd.s32 $0x1, s16  }
0x77: {  	[sflag:s15] =	ssyncadd.s32 $0xFFFFF830;
	p0 =	sne.s32 s16, s9  }
.Ltmp1:
0x78: {  	[bflag:$0x0] =	sbarrier.arrive $0xFFFF;
	(pc) =	sbr.rel @p0 .LBB2_1-.Ltmp1, $4  }
0x79: {  	[hbm:s8], [sflag:s6] =	dma.local [spmem:s10], $0x500  }
0x7a: {  	_ =	swait.ge [sflag:s11], $0x500  }
0x7b: {  	[sflag:s11] =	ssyncset.done $0x0  }
0x7c: {  	[sflag:s11] =	ssyncadd.s32 $0xFFFFFB00  }
0x7d: {  	_ =	sfence.sel $0x180000  }
0x7e: {  	[bflag:$0x0] =	sbarrier.arrive $0xFFFF  }
0x7f: {  	_ =	strace $0x90000047  }
0x80: {  	s0 =	stileid.u32;
	[bflag:$0x2] =	sbarrier.arrive $0xFFFF  }
0x81: {  	p0 =	sne.s32 s0, $0x0;
	s0 =	rddreg [dreg:$0x3]  }
0x82: {  	s0 =	sadd.s32 @!p0 $0x100000, s0  }
0x83: {  	[sflag:s0] =	ssyncadd.tile.s32 @!p0 $0x1;
	_ =	shalt  }
.Lfunc_end2:
_tile_overlayer_lowered:
.L_overlay_start_2:
0x84: {  	(tag) =	ssettag $0x2  }
0x85: {  	s0 =	rddreg [dreg:$0x0];
	s2 =	stileid.u32  }
0x86: {  	s1 =	rddreg [dreg:$0x1];
	p0 =	sne.s32 s2, $0x0  }
0x87: {  	s3 =	rddreg [dreg:$0x2];
	[bflag:$0x3] =	sbarrier.arrive $0xFFFF;
	s2 =	simm.s32 @!p0 $0x1C02  }
0x88: {  	[timem:s3], [sflag:s2] =	dma.local @!p0 [hbm:s0], s1  }
0x89: {  	s0 =	simm.s32 @!p0 $0x2  }
0x8a: {  	_ =	swait.ge @!p0 [sflag:s0], s1  }
0x8b: {  	s1 =	ssub.s32 @!p0 $0x0, s1;
	[sflag:s0] =	ssyncset.done @!p0 $0x0  }
0x8c: {  	[sflag:s0] =	ssyncadd.s32 @!p0 s1  }
0x8d: {  	[bflag:$0x3] =	sbarrier.arrive $0xFFFF  }
0x8e: {  	_ =	shalt  }

</sc_bundles>
